<compile_context>
chip_gen: v7x
topology: tpu7x:2x2x1
jax: 0.10.2.dev20260603
libtpu: 0.0.44.dev20260713+nightly
codegen_flags: <defaults>
</compile_context>

<pallas_src>
import functools

import jax
import jax.numpy as jnp
from jax import lax
from jax.experimental import pallas as pl
from jax.experimental.pallas import tpu as pltpu
from jax.experimental.pallas import tpu_sc as plsc

_VOCAB = 100000
_DIM = 32
_BATCH = 16384
_HIST = 200
_NC = 2
_NS = 16
_NW = _NC * _NS
_HB = 8
_BB = 256
_NSEG = _HB * (_BB // 128)
_NG = _HIST // _HB
_NJ = _BATCH // _BB
_N_CH = _NG * _NJ
_NBUF = 4
_SEGS = _HIST * _DIM * _BATCH // 128

_mesh = plsc.VectorSubcoreMesh(core_axis_name="c", subcore_axis_name="s")


@functools.partial(
    pl.kernel,
    mesh=_mesh,
    out_type=jax.ShapeDtypeStruct((_SEGS, 128), jnp.float32),
    scratch_types=[
        pltpu.VMEM((_VOCAB,), jnp.float32),
        pltpu.VMEM((_NBUF, _HB, _BB), jnp.int32),
        pltpu.VMEM((_NBUF, _NSEG, 128), jnp.float32),
        pltpu.VMEM((_NBUF, _NSEG), jnp.int32),
        pltpu.SemaphoreType.DMA,
        pltpu.SemaphoreType.DMA,
        pltpu.SemaphoreType.DMA,
    ],
    compiler_params=pltpu.CompilerParams(use_tc_tiling_on_sc=True,
                                         needs_layout_passes=False),
)
def _gather_cols(idx_hbm, tab_hbm, out_hbm, trow, idxb, outb, segv, sem_t,
                 sem_i, sem_w):
    d = lax.axis_index("s") * _NC + lax.axis_index("c")
    seg_d = (d // 8) * 1024 + d % 8

    def idx_slice(i):
        g, j = i // _NJ, i % _NJ
        return idx_hbm.at[pl.ds(g * _HB, _HB), pl.ds(j * _BB, _BB)]

    def seg_base(i):
        g, j = i // _NJ, i % _NJ
        return g * _HB * 4096 + j * (_BB // 128) * 8 + seg_d

    pltpu.async_copy(tab_hbm.at[d], trow, sem_t)
    for b in range(_NBUF - 1):
        pltpu.async_copy(idx_slice(b), idxb.at[b], sem_i)
    pltpu.make_async_copy(tab_hbm.at[d], trow, sem_t).wait()

    def step(i, slot):
        pltpu.make_async_copy(idx_slice(i), idxb.at[slot], sem_i).wait()

        @pl.when(i + _NBUF - 1 < _N_CH)
        def _():
            pltpu.async_copy(idx_slice(i + _NBUF - 1),
                             idxb.at[(slot + _NBUF - 1) % _NBUF], sem_i)

        @pl.when(i >= _NBUF)
        def _():
            pltpu.make_async_copy(outb.at[slot],
                                  out_hbm.at[segv.at[slot]], sem_w).wait()

        m = lax.iota(jnp.int32, 16)
        segv[slot, pl.ds(0, 16)] = (
            seg_base(i) + (m // (_BB // 128)) * 4096
            + lax.rem(m, _BB // 128) * 8)

        @plsc.parallel_loop(0, _HB * _BB, step=16, unroll=8)
        def _(k):
            iv = idxb[slot, k // _BB, pl.ds(lax.rem(k, _BB), 16)]
            outb[slot, k // 128, pl.ds(lax.rem(k, 128), 16)] = (
                plsc.load_gather(trow, [iv]))

        pltpu.async_copy(outb.at[slot], out_hbm.at[segv.at[slot]], sem_w)

    def outer(o, carry):
        for b in range(_NBUF):
            step(_NBUF * o + b, b)
        return carry

    lax.fori_loop(0, _N_CH // _NBUF, outer, 0)

    for b in range(_NBUF):
        pltpu.make_async_copy(outb.at[b], out_hbm.at[segv.at[b]],
                              sem_w).wait()


def kernel(relation_indices, table):
    out4 = _gather_cols(relation_indices.T, table.T)
    out5 = out4.reshape(_HIST, _DIM // 8, _BATCH // 128, 8, 128)
    return out5.transpose(2, 4, 0, 1, 3).reshape(_BATCH, _HIST, _DIM)

# --- scband reference (transcript-rebuilt; emitter-appended) ---
"""Pipeline reference for scband-relation-embedding-76390288327762 (READ-ONLY COPY).

The authoritative reference and input builder live on the scoring server;
editing this copy changes nothing except your own understanding.
"""

import jax, jax.numpy as jnp
import numpy as np

VOCAB = 100000
DIM = 32
PAD_IDX = 0
BATCH = 16384
HIST = 200


def setup_inputs(seed: int = 0) -> dict:
    key = jax.random.key(seed)
    k1, k2 = jax.random.split(key)
    # xavier_uniform init for the embedding table, padding row zeroed (matches torch init)
    bound = float(np.sqrt(6.0 / (VOCAB + DIM)))
    table = jax.random.uniform(k1, (VOCAB, DIM), minval=-bound, maxval=bound, dtype=jnp.float32)
    table = table.at[PAD_IDX].set(0.0)
    relation_indices = jax.random.randint(k2, (BATCH, HIST), 0, VOCAB, dtype=jnp.int32)
    return {"relation_indices": relation_indices, "table": table}


def reference(relation_indices, table):
    # nn.Embedding forward == row gather from the table
    return jnp.take(table, relation_indices, axis=0)

if __name__ == "__main__":
    import jax
    _d = setup_inputs()
    print(jax.jit(kernel)(*tuple(_d.values())))

</pallas_src>

<mosaic_0001>
#map = affine_map<(d0, d1) -> (0, 0)>
module attributes {stable_mosaic.version = 14 : i64} {
  func.func @_gather_cols(%arg0: i32, %arg1: i32, %arg2: memref<200x16384xi32, #tpu.memory_space<hbm>>, %arg3: memref<32x100000xf32, #tpu.memory_space<hbm>>, %arg4: memref<819200x128xf32, #tpu.memory_space<hbm>>, %arg5: memref<100000xf32, #tpu.memory_space<vmem>>, %arg6: memref<4x8x256xi32, #tpu.memory_space<vmem>>, %arg7: memref<4x16x128xf32, #tpu.memory_space<vmem>>, %arg8: memref<4x16xi32, #tpu.memory_space<vmem>>, %arg9: memref<!tpu.dma_semaphore, #tpu.memory_space<semaphore_mem>>, %arg10: memref<!tpu.dma_semaphore, #tpu.memory_space<semaphore_mem>>, %arg11: memref<!tpu.dma_semaphore, #tpu.memory_space<semaphore_mem>>) attributes {dimension_semantics = [#tpu.dimension_semantics<core_parallel>, #tpu.dimension_semantics<subcore_parallel>], iteration_bounds = array<i64: 2, 16>, scalar_prefetch = 0 : i64, scratch_operands = 7 : i64, tpu.core_type = #tpu.core_type<sc_vector_subcore>, window_params = [{transform_indices = #map}, {transform_indices = #map}, {transform_indices = #map}]} {
    %mul3A = arith.constant 2 : i32
    %mul3A_0 = arith.muli %arg1, %mul3A : i32
    %add3A = arith.addi %mul3A_0, %arg0 : i32
    %jit3A = arith.constant 8 : i32
    %div3A = arith.divsi %add3A, %jit3A : i32
    %sign3A = arith.constant 0 : i32
    %sign3A_1 = arith.cmpi sgt, %add3A, %sign3A : i32
    %sign3A_2 = arith.extui %sign3A_1 : i1 to i32
    %sign3A_3 = arith.constant 0 : i32
    %sign3A_4 = arith.cmpi slt, %add3A, %sign3A_3 : i32
    %sign3A_5 = arith.extui %sign3A_4 : i1 to i32
    %sign3A_6 = arith.subi %sign3A_2, %sign3A_5 : i32
    %sign3A_7 = arith.constant 0 : i32
    %sign3A_8 = arith.cmpi sgt, %jit3A, %sign3A_7 : i32
    %sign3A_9 = arith.extui %sign3A_8 : i1 to i32
    %sign3A_10 = arith.constant 0 : i32
    %sign3A_11 = arith.cmpi slt, %jit3A, %sign3A_10 : i32
    %sign3A_12 = arith.extui %sign3A_11 : i1 to i32
    %sign3A_13 = arith.subi %sign3A_9, %sign3A_12 : i32
    %ne3A = arith.cmpi ne, %sign3A_6, %sign3A_13 : i32
    %rem3A = arith.remsi %add3A, %jit3A : i32
    %ne3A_14 = arith.constant 0 : i32
    %ne3A_15 = arith.cmpi ne, %rem3A, %ne3A_14 : i32
    %and3A = arith.andi %ne3A, %ne3A_15 : i1
    %sub3A = arith.constant 1 : i32
    %sub3A_16 = arith.subi %div3A, %sub3A : i32
    %select_n3A = arith.select %and3A, %sub3A_16, %div3A : i32
    %mul3A_17 = arith.constant 1024 : i32
    %mul3A_18 = arith.muli %select_n3A, %mul3A_17 : i32
    %jit3A_19 = arith.constant 8 : i32
    %eq3A = arith.constant 0 : i32
    %eq3A_20 = arith.cmpi eq, %jit3A_19, %eq3A : i32
    %jit3A_21 = arith.constant 1 : i32
    %select_n3A_22 = arith.select %eq3A_20, %jit3A_21, %jit3A_19 : i32
    %rem3A_23 = arith.remsi %add3A, %select_n3A_22 : i32
    %ne3A_24 = arith.constant 0 : i32
    %ne3A_25 = arith.cmpi ne, %rem3A_23, %ne3A_24 : i32
    %lt3A = arith.constant 0 : i32
    %lt3A_26 = arith.cmpi slt, %rem3A_23, %lt3A : i32
    %lt3A_27 = arith.constant 0 : i32
    %lt3A_28 = arith.cmpi slt, %select_n3A_22, %lt3A_27 : i32
    %ne3A_29 = arith.xori %lt3A_26, %lt3A_28 : i1
    %and3A_30 = arith.andi %ne3A_29, %ne3A_25 : i1
    %add3A_31 = arith.addi %rem3A_23, %select_n3A_22 : i32
    %select_n3A_32 = arith.select %and3A_30, %add3A_31, %rem3A_23 : i32
    %add3A_33 = arith.addi %mul3A_18, %select_n3A_32 : i32
    %dma_start3A = arith.constant 0 : i32
    %dma_start3A_34 = tpu.memref_slice %arg3[%add3A, %dma_start3A] : memref<32x100000xf32, #tpu.memory_space<hbm>> -> memref<1x100000xf32, #tpu.memory_space<hbm>>
    %dma_start3A_35 = tpu.memref_squeeze %dma_start3A_34 : memref<1x100000xf32, #tpu.memory_space<hbm>> -> memref<100000xf32, #tpu.memory_space<hbm>>
    %dma_start3A_36 = arith.constant 0 : i32
    %dma_start3A_37 = tpu.memref_slice %arg3[%add3A, %dma_start3A_36] : memref<32x100000xf32, #tpu.memory_space<hbm>> -> memref<1x100000xf32, #tpu.memory_space<hbm>>
    %dma_start3A_38 = tpu.memref_squeeze %dma_start3A_37 : memref<1x100000xf32, #tpu.memory_space<hbm>> -> memref<100000xf32, #tpu.memory_space<hbm>>
    tpu.enqueue_dma source(%dma_start3A_38 : memref<100000xf32, #tpu.memory_space<hbm>>) target(%arg5 : memref<100000xf32, #tpu.memory_space<vmem>>) target_semaphore(%arg9 : memref<!tpu.dma_semaphore, #tpu.memory_space<semaphore_mem>>)
    %dma_start3A_39 = arith.constant 0 : i32
    %dma_start3A_40 = arith.constant 0 : i32
    %dma_start3A_41 = arith.constant 0 : i32
    %dma_start3A_42 = tpu.memref_slice %arg6[%dma_start3A_39, %dma_start3A_40, %dma_start3A_41] : memref<4x8x256xi32, #tpu.memory_space<vmem>> -> memref<1x8x256xi32, #tpu.memory_space<vmem>>
    %dma_start3A_43 = tpu.memref_squeeze %dma_start3A_42 : memref<1x8x256xi32, #tpu.memory_space<vmem>> -> memref<8x256xi32, #tpu.memory_space<vmem>>
    %dma_start3A_44 = arith.constant 0 : i32
    %dma_start3A_45 = arith.constant 0 : i32
    %dma_start3A_46 = tpu.memref_slice %arg2[%dma_start3A_44, %dma_start3A_45] : memref<200x16384xi32, #tpu.memory_space<hbm>> -> memref<8x256xi32, #tpu.memory_space<hbm>>
    %dma_start3A_47 = arith.constant 0 : i32
    %dma_start3A_48 = arith.constant 0 : i32
    %dma_start3A_49 = tpu.memref_slice %arg6[%dma_start3A_39, %dma_start3A_47, %dma_start3A_48] : memref<4x8x256xi32, #tpu.memory_space<vmem>> -> memref<1x8x256xi32, #tpu.memory_space<vmem>>
    %dma_start3A_50 = tpu.memref_squeeze %dma_start3A_49 : memref<1x8x256xi32, #tpu.memory_space<vmem>> -> memref<8x256xi32, #tpu.memory_space<vmem>>
    %dma_start3A_51 = arith.constant 0 : i32
    %dma_start3A_52 = arith.constant 0 : i32
    %dma_start3A_53 = tpu.memref_slice %arg2[%dma_start3A_51, %dma_start3A_52] : memref<200x16384xi32, #tpu.memory_space<hbm>> -> memref<8x256xi32, #tpu.memory_space<hbm>>
    tpu.enqueue_dma source(%dma_start3A_53 : memref<8x256xi32, #tpu.memory_space<hbm>>) target(%dma_start3A_50 : memref<8x256xi32, #tpu.memory_space<vmem>>) target_semaphore(%arg10 : memref<!tpu.dma_semaphore, #tpu.memory_space<semaphore_mem>>)
    %dma_start3A_54 = arith.constant 1 : i32
    %dma_start3A_55 = arith.constant 0 : i32
    %dma_start3A_56 = arith.constant 0 : i32
    %dma_start3A_57 = tpu.memref_slice %arg6[%dma_start3A_54, %dma_start3A_55, %dma_start3A_56] : memref<4x8x256xi32, #tpu.memory_space<vmem>> -> memref<1x8x256xi32, #tpu.memory_space<vmem>>
    %dma_start3A_58 = tpu.memref_squeeze %dma_start3A_57 : memref<1x8x256xi32, #tpu.memory_space<vmem>> -> memref<8x256xi32, #tpu.memory_space<vmem>>
    %dma_start3A_59 = arith.constant 0 : i32
    %dma_start3A_60 = arith.constant 256 : i32
    %dma_start3A_61 = tpu.memref_slice %arg2[%dma_start3A_59, %dma_start3A_60] : memref<200x16384xi32, #tpu.memory_space<hbm>> -> memref<8x256xi32, #tpu.memory_space<hbm>>
    %dma_start3A_62 = arith.constant 0 : i32
    %dma_start3A_63 = arith.constant 0 : i32
    %dma_start3A_64 = tpu.memref_slice %arg6[%dma_start3A_54, %dma_start3A_62, %dma_start3A_63] : memref<4x8x256xi32, #tpu.memory_space<vmem>> -> memref<1x8x256xi32, #tpu.memory_space<vmem>>
    %dma_start3A_65 = tpu.memref_squeeze %dma_start3A_64 : memref<1x8x256xi32, #tpu.memory_space<vmem>> -> memref<8x256xi32, #tpu.memory_space<vmem>>
    %dma_start3A_66 = arith.constant 0 : i32
    %dma_start3A_67 = arith.constant 256 : i32
    %dma_start3A_68 = tpu.memref_slice %arg2[%dma_start3A_66, %dma_start3A_67] : memref<200x16384xi32, #tpu.memory_space<hbm>> -> memref<8x256xi32, #tpu.memory_space<hbm>>
    tpu.enqueue_dma source(%dma_start3A_68 : memref<8x256xi32, #tpu.memory_space<hbm>>) target(%dma_start3A_65 : memref<8x256xi32, #tpu.memory_space<vmem>>) target_semaphore(%arg10 : memref<!tpu.dma_semaphore, #tpu.memory_space<semaphore_mem>>)
    %dma_start3A_69 = arith.constant 2 : i32
    %dma_start3A_70 = arith.constant 0 : i32
    %dma_start3A_71 = arith.constant 0 : i32
    %dma_start3A_72 = tpu.memref_slice %arg6[%dma_start3A_69, %dma_start3A_70, %dma_start3A_71] : memref<4x8x256xi32, #tpu.memory_space<vmem>> -> memref<1x8x256xi32, #tpu.memory_space<vmem>>
    %dma_start3A_73 = tpu.memref_squeeze %dma_start3A_72 : memref<1x8x256xi32, #tpu.memory_space<vmem>> -> memref<8x256xi32, #tpu.memory_space<vmem>>
    %dma_start3A_74 = arith.constant 0 : i32
    %dma_start3A_75 = arith.constant 512 : i32
    %dma_start3A_76 = tpu.memref_slice %arg2[%dma_start3A_74, %dma_start3A_75] : memref<200x16384xi32, #tpu.memory_space<hbm>> -> memref<8x256xi32, #tpu.memory_space<hbm>>
    %dma_start3A_77 = arith.constant 0 : i32
    %dma_start3A_78 = arith.constant 0 : i32
    %dma_start3A_79 = tpu.memref_slice %arg6[%dma_start3A_69, %dma_start3A_77, %dma_start3A_78] : memref<4x8x256xi32, #tpu.memory_space<vmem>> -> memref<1x8x256xi32, #tpu.memory_space<vmem>>
    %dma_start3A_80 = tpu.memref_squeeze %dma_start3A_79 : memref<1x8x256xi32, #tpu.memory_space<vmem>> -> memref<8x256xi32, #tpu.memory_space<vmem>>
    %dma_start3A_81 = arith.constant 0 : i32
    %dma_start3A_82 = arith.constant 512 : i32
    %dma_start3A_83 = tpu.memref_slice %arg2[%dma_start3A_81, %dma_start3A_82] : memref<200x16384xi32, #tpu.memory_space<hbm>> -> memref<8x256xi32, #tpu.memory_space<hbm>>
    tpu.enqueue_dma source(%dma_start3A_83 : memref<8x256xi32, #tpu.memory_space<hbm>>) target(%dma_start3A_80 : memref<8x256xi32, #tpu.memory_space<vmem>>) target_semaphore(%arg10 : memref<!tpu.dma_semaphore, #tpu.memory_space<semaphore_mem>>)
    %dma_wait3A = arith.constant 0 : i32
    %dma_wait3A_84 = tpu.memref_slice %arg3[%add3A, %dma_wait3A] : memref<32x100000xf32, #tpu.memory_space<hbm>> -> memref<1x100000xf32, #tpu.memory_space<hbm>>
    %dma_wait3A_85 = tpu.memref_squeeze %dma_wait3A_84 : memref<1x100000xf32, #tpu.memory_space<hbm>> -> memref<100000xf32, #tpu.memory_space<hbm>>
    %dma_wait3A_86 = arith.constant 0 : i32
    %dma_wait3A_87 = tpu.memref_slice %arg3[%add3A, %dma_wait3A_86] : memref<32x100000xf32, #tpu.memory_space<hbm>> -> memref<1x100000xf32, #tpu.memory_space<hbm>>
    %dma_wait3A_88 = tpu.memref_squeeze %dma_wait3A_87 : memref<1x100000xf32, #tpu.memory_space<hbm>> -> memref<100000xf32, #tpu.memory_space<hbm>>
    tpu.wait_dma2 semaphore(%arg9 : memref<!tpu.dma_semaphore, #tpu.memory_space<semaphore_mem>>) src(%dma_wait3A_88 : memref<100000xf32, #tpu.memory_space<hbm>>) dst(%arg5 : memref<100000xf32, #tpu.memory_space<vmem>>)
    %scan3A = arith.constant 0 : i32
    %scan3A_89 = arith.constant 0 : i32
    %scan3A_90 = arith.constant 400 : i32
    %scan3A_91 = arith.addi %scan3A_89, %scan3A_90 : i32
    %scan3A_92 = arith.constant 1 : i32
    scf.for %scan3A_142 = %scan3A_89 to %scan3A_91 step %scan3A_92  : i32 {
      %mul3A_143 = arith.constant 4 : i32
      %mul3A_144 = arith.muli %mul3A_143, %scan3A_142 : i32
      %add3A_145 = arith.constant 0 : i32
      %add3A_146 = arith.addi %mul3A_144, %add3A_145 : i32
      %jit3A_147 = arith.constant 64 : i32
      %div3A_148 = arith.divsi %add3A_146, %jit3A_147 : i32
      %sign3A_149 = arith.constant 0 : i32
      %sign3A_150 = arith.cmpi sgt, %add3A_146, %sign3A_149 : i32
      %sign3A_151 = arith.extui %sign3A_150 : i1 to i32
      %sign3A_152 = arith.constant 0 : i32
      %sign3A_153 = arith.cmpi slt, %add3A_146, %sign3A_152 : i32
      %sign3A_154 = arith.extui %sign3A_153 : i1 to i32
      %sign3A_155 = arith.subi %sign3A_151, %sign3A_154 : i32
      %sign3A_156 = arith.constant 0 : i32
      %sign3A_157 = arith.cmpi sgt, %jit3A_147, %sign3A_156 : i32
      %sign3A_158 = arith.extui %sign3A_157 : i1 to i32
      %sign3A_159 = arith.constant 0 : i32
      %sign3A_160 = arith.cmpi slt, %jit3A_147, %sign3A_159 : i32
      %sign3A_161 = arith.extui %sign3A_160 : i1 to i32
      %sign3A_162 = arith.subi %sign3A_158, %sign3A_161 : i32
      %ne3A_163 = arith.cmpi ne, %sign3A_155, %sign3A_162 : i32
      %rem3A_164 = arith.remsi %add3A_146, %jit3A_147 : i32
      %ne3A_165 = arith.constant 0 : i32
      %ne3A_166 = arith.cmpi ne, %rem3A_164, %ne3A_165 : i32
      %and3A_167 = arith.andi %ne3A_163, %ne3A_166 : i1
      %sub3A_168 = arith.constant 1 : i32
      %sub3A_169 = arith.subi %div3A_148, %sub3A_168 : i32
      %select_n3A_170 = arith.select %and3A_167, %sub3A_169, %div3A_148 : i32
      %jit3A_171 = arith.constant 64 : i32
      %eq3A_172 = arith.constant 0 : i32
      %eq3A_173 = arith.cmpi eq, %jit3A_171, %eq3A_172 : i32
      %jit3A_174 = arith.constant 1 : i32
      %select_n3A_175 = arith.select %eq3A_173, %jit3A_174, %jit3A_171 : i32
      %rem3A_176 = arith.remsi %add3A_146, %select_n3A_175 : i32
      %ne3A_177 = arith.constant 0 : i32
      %ne3A_178 = arith.cmpi ne, %rem3A_176, %ne3A_177 : i32
      %lt3A_179 = arith.constant 0 : i32
      %lt3A_180 = arith.cmpi slt, %rem3A_176, %lt3A_179 : i32
      %lt3A_181 = arith.constant 0 : i32
      %lt3A_182 = arith.cmpi slt, %select_n3A_175, %lt3A_181 : i32
      %ne3A_183 = arith.xori %lt3A_180, %lt3A_182 : i1
      %and3A_184 = arith.andi %ne3A_183, %ne3A_178 : i1
      %add3A_185 = arith.addi %rem3A_176, %select_n3A_175 : i32
      %select_n3A_186 = arith.select %and3A_184, %add3A_185, %rem3A_176 : i32
      %mul3A_187 = arith.constant 8 : i32
      %mul3A_188 = arith.muli %select_n3A_170, %mul3A_187 : i32
      %mul3A_189 = arith.constant 256 : i32
      %mul3A_190 = arith.muli %select_n3A_186, %mul3A_189 : i32
      %dma_wait3A_191 = arith.constant 0 : i32
      %dma_wait3A_192 = arith.constant 0 : i32
      %dma_wait3A_193 = arith.constant 0 : i32
      %dma_wait3A_194 = tpu.memref_slice %arg6[%dma_wait3A_191, %dma_wait3A_192, %dma_wait3A_193] : memref<4x8x256xi32, #tpu.memory_space<vmem>> -> memref<1x8x256xi32, #tpu.memory_space<vmem>>
      %dma_wait3A_195 = tpu.memref_squeeze %dma_wait3A_194 : memref<1x8x256xi32, #tpu.memory_space<vmem>> -> memref<8x256xi32, #tpu.memory_space<vmem>>
      %dma_wait3A_196 = tpu.memref_slice %arg2[%mul3A_188, %mul3A_190] : memref<200x16384xi32, #tpu.memory_space<hbm>> -> memref<8x256xi32, #tpu.memory_space<hbm>>
      %dma_wait3A_197 = arith.constant 0 : i32
      %dma_wait3A_198 = arith.constant 0 : i32
      %dma_wait3A_199 = tpu.memref_slice %arg6[%dma_wait3A_191, %dma_wait3A_197, %dma_wait3A_198] : memref<4x8x256xi32, #tpu.memory_space<vmem>> -> memref<1x8x256xi32, #tpu.memory_space<vmem>>
      %dma_wait3A_200 = tpu.memref_squeeze %dma_wait3A_199 : memref<1x8x256xi32, #tpu.memory_space<vmem>> -> memref<8x256xi32, #tpu.memory_space<vmem>>
      %dma_wait3A_201 = tpu.memref_slice %arg2[%mul3A_188, %mul3A_190] : memref<200x16384xi32, #tpu.memory_space<hbm>> -> memref<8x256xi32, #tpu.memory_space<hbm>>
      tpu.wait_dma2 semaphore(%arg10 : memref<!tpu.dma_semaphore, #tpu.memory_space<semaphore_mem>>) src(%dma_wait3A_201 : memref<8x256xi32, #tpu.memory_space<hbm>>) dst(%dma_wait3A_200 : memref<8x256xi32, #tpu.memory_space<vmem>>)
      %add3A_202 = arith.constant 4 : i32
      %add3A_203 = arith.addi %add3A_146, %add3A_202 : i32
      %sub3A_204 = arith.constant 1 : i32
      %sub3A_205 = arith.subi %add3A_203, %sub3A_204 : i32
      %lt3A_206 = arith.constant 1600 : i32
      %lt3A_207 = arith.cmpi slt, %sub3A_205, %lt3A_206 : i32
      %convert_element_type3A = arith.extui %lt3A_207 : i1 to i32
      %cond3A = arith.constant 0 : i32
      %cond3A_208 = arith.cmpi ne, %convert_element_type3A, %cond3A : i32
      scf.if %cond3A_208 {
        %add3A_881 = arith.constant 4 : i32
        %add3A_882 = arith.addi %add3A_146, %add3A_881 : i32
        %sub3A_883 = arith.constant 1 : i32
        %sub3A_884 = arith.subi %add3A_882, %sub3A_883 : i32
        %jit3A_885 = arith.constant 64 : i32
        %div3A_886 = arith.divsi %sub3A_884, %jit3A_885 : i32
        %sign3A_887 = arith.constant 0 : i32
        %sign3A_888 = arith.cmpi sgt, %sub3A_884, %sign3A_887 : i32
        %sign3A_889 = arith.extui %sign3A_888 : i1 to i32
        %sign3A_890 = arith.constant 0 : i32
        %sign3A_891 = arith.cmpi slt, %sub3A_884, %sign3A_890 : i32
        %sign3A_892 = arith.extui %sign3A_891 : i1 to i32
        %sign3A_893 = arith.subi %sign3A_889, %sign3A_892 : i32
        %sign3A_894 = arith.constant 0 : i32
        %sign3A_895 = arith.cmpi sgt, %jit3A_885, %sign3A_894 : i32
        %sign3A_896 = arith.extui %sign3A_895 : i1 to i32
        %sign3A_897 = arith.constant 0 : i32
        %sign3A_898 = arith.cmpi slt, %jit3A_885, %sign3A_897 : i32
        %sign3A_899 = arith.extui %sign3A_898 : i1 to i32
        %sign3A_900 = arith.subi %sign3A_896, %sign3A_899 : i32
        %ne3A_901 = arith.cmpi ne, %sign3A_893, %sign3A_900 : i32
        %rem3A_902 = arith.remsi %sub3A_884, %jit3A_885 : i32
        %ne3A_903 = arith.constant 0 : i32
        %ne3A_904 = arith.cmpi ne, %rem3A_902, %ne3A_903 : i32
        %and3A_905 = arith.andi %ne3A_901, %ne3A_904 : i1
        %sub3A_906 = arith.constant 1 : i32
        %sub3A_907 = arith.subi %div3A_886, %sub3A_906 : i32
        %select_n3A_908 = arith.select %and3A_905, %sub3A_907, %div3A_886 : i32
        %jit3A_909 = arith.constant 64 : i32
        %eq3A_910 = arith.constant 0 : i32
        %eq3A_911 = arith.cmpi eq, %jit3A_909, %eq3A_910 : i32
        %jit3A_912 = arith.constant 1 : i32
        %select_n3A_913 = arith.select %eq3A_911, %jit3A_912, %jit3A_909 : i32
        %rem3A_914 = arith.remsi %sub3A_884, %select_n3A_913 : i32
        %ne3A_915 = arith.constant 0 : i32
        %ne3A_916 = arith.cmpi ne, %rem3A_914, %ne3A_915 : i32
        %lt3A_917 = arith.constant 0 : i32
        %lt3A_918 = arith.cmpi slt, %rem3A_914, %lt3A_917 : i32
        %lt3A_919 = arith.constant 0 : i32
        %lt3A_920 = arith.cmpi slt, %select_n3A_913, %lt3A_919 : i32
        %ne3A_921 = arith.xori %lt3A_918, %lt3A_920 : i1
        %and3A_922 = arith.andi %ne3A_921, %ne3A_916 : i1
        %add3A_923 = arith.addi %rem3A_914, %select_n3A_913 : i32
        %select_n3A_924 = arith.select %and3A_922, %add3A_923, %rem3A_914 : i32
        %mul3A_925 = arith.constant 8 : i32
        %mul3A_926 = arith.muli %select_n3A_908, %mul3A_925 : i32
        %mul3A_927 = arith.constant 256 : i32
        %mul3A_928 = arith.muli %select_n3A_924, %mul3A_927 : i32
        %dma_start3A_929 = arith.constant 3 : i32
        %dma_start3A_930 = arith.constant 0 : i32
        %dma_start3A_931 = arith.constant 0 : i32
        %dma_start3A_932 = tpu.memref_slice %arg6[%dma_start3A_929, %dma_start3A_930, %dma_start3A_931] : memref<4x8x256xi32, #tpu.memory_space<vmem>> -> memref<1x8x256xi32, #tpu.memory_space<vmem>>
        %dma_start3A_933 = tpu.memref_squeeze %dma_start3A_932 : memref<1x8x256xi32, #tpu.memory_space<vmem>> -> memref<8x256xi32, #tpu.memory_space<vmem>>
        %dma_start3A_934 = tpu.memref_slice %arg2[%mul3A_926, %mul3A_928] : memref<200x16384xi32, #tpu.memory_space<hbm>> -> memref<8x256xi32, #tpu.memory_space<hbm>>
        %dma_start3A_935 = arith.constant 0 : i32
        %dma_start3A_936 = arith.constant 0 : i32
        %dma_start3A_937 = tpu.memref_slice %arg6[%dma_start3A_929, %dma_start3A_935, %dma_start3A_936] : memref<4x8x256xi32, #tpu.memory_space<vmem>> -> memref<1x8x256xi32, #tpu.memory_space<vmem>>
        %dma_start3A_938 = tpu.memref_squeeze %dma_start3A_937 : memref<1x8x256xi32, #tpu.memory_space<vmem>> -> memref<8x256xi32, #tpu.memory_space<vmem>>
        %dma_start3A_939 = tpu.memref_slice %arg2[%mul3A_926, %mul3A_928] : memref<200x16384xi32, #tpu.memory_space<hbm>> -> memref<8x256xi32, #tpu.memory_space<hbm>>
        tpu.enqueue_dma source(%dma_start3A_939 : memref<8x256xi32, #tpu.memory_space<hbm>>) target(%dma_start3A_938 : memref<8x256xi32, #tpu.memory_space<vmem>>) target_semaphore(%arg10 : memref<!tpu.dma_semaphore, #tpu.memory_space<semaphore_mem>>)
      } else {
      }
      %ge3A = arith.constant 4 : i32
      %ge3A_209 = arith.cmpi sge, %add3A_146, %ge3A : i32
      %convert_element_type3A_210 = arith.extui %ge3A_209 : i1 to i32
      %cond3A_211 = arith.constant 0 : i32
      %cond3A_212 = arith.cmpi ne, %convert_element_type3A_210, %cond3A_211 : i32
      scf.if %cond3A_212 {
        %dma_wait3A_881 = arith.constant 0 : i32
        %dma_wait3A_882 = arith.constant 0 : i32
        %dma_wait3A_883 = arith.constant 0 : i32
        %dma_wait3A_884 = arith.constant 0 : i32
        %dma_wait3A_885 = tpu.memref_slice %arg7[%dma_wait3A_881, %dma_wait3A_883, %dma_wait3A_884] : memref<4x16x128xf32, #tpu.memory_space<vmem>> -> memref<1x16x128xf32, #tpu.memory_space<vmem>>
        %dma_wait3A_886 = tpu.memref_squeeze %dma_wait3A_885 : memref<1x16x128xf32, #tpu.memory_space<vmem>> -> memref<16x128xf32, #tpu.memory_space<vmem>>
        %dma_wait3A_887 = arith.constant 0 : i32
        %dma_wait3A_888 = tpu.memref_slice %arg8[%dma_wait3A_882, %dma_wait3A_887] : memref<4x16xi32, #tpu.memory_space<vmem>> -> memref<1x16xi32, #tpu.memory_space<vmem>>
        %dma_wait3A_889 = tpu.memref_squeeze %dma_wait3A_888 : memref<1x16xi32, #tpu.memory_space<vmem>> -> memref<16xi32, #tpu.memory_space<vmem>>
        %dma_wait3A_890 = arith.constant 0 : i32
        %dma_wait3A_891 = arith.constant 0 : i32
        %dma_wait3A_892 = tpu.memref_slice %arg4[%dma_wait3A_890, %dma_wait3A_891] : memref<819200x128xf32, #tpu.memory_space<hbm>> -> memref<819200x128xf32, #tpu.memory_space<hbm>>
        tpu.wait_indirect_dma semaphore(%arg11 : memref<!tpu.dma_semaphore, #tpu.memory_space<semaphore_mem>>) src(%dma_wait3A_886 : memref<16x128xf32, #tpu.memory_space<vmem>>) dst(%dma_wait3A_892 : memref<819200x128xf32, #tpu.memory_space<hbm>>)
      } else {
      }
      %iota3A = tpu.iota {dimensions = array<i32: 0>} : vector<16xi32>
      %jit3A_213 = arith.constant 64 : i32
      %div3A_214 = arith.divsi %add3A_146, %jit3A_213 : i32
      %sign3A_215 = arith.constant 0 : i32
      %sign3A_216 = arith.cmpi sgt, %add3A_146, %sign3A_215 : i32
      %sign3A_217 = arith.extui %sign3A_216 : i1 to i32
      %sign3A_218 = arith.constant 0 : i32
      %sign3A_219 = arith.cmpi slt, %add3A_146, %sign3A_218 : i32
      %sign3A_220 = arith.extui %sign3A_219 : i1 to i32
      %sign3A_221 = arith.subi %sign3A_217, %sign3A_220 : i32
      %sign3A_222 = arith.constant 0 : i32
      %sign3A_223 = arith.cmpi sgt, %jit3A_213, %sign3A_222 : i32
      %sign3A_224 = arith.extui %sign3A_223 : i1 to i32
      %sign3A_225 = arith.constant 0 : i32
      %sign3A_226 = arith.cmpi slt, %jit3A_213, %sign3A_225 : i32
      %sign3A_227 = arith.extui %sign3A_226 : i1 to i32
      %sign3A_228 = arith.subi %sign3A_224, %sign3A_227 : i32
      %ne3A_229 = arith.cmpi ne, %sign3A_221, %sign3A_228 : i32
      %rem3A_230 = arith.remsi %add3A_146, %jit3A_213 : i32
      %ne3A_231 = arith.constant 0 : i32
      %ne3A_232 = arith.cmpi ne, %rem3A_230, %ne3A_231 : i32
      %and3A_233 = arith.andi %ne3A_229, %ne3A_232 : i1
      %sub3A_234 = arith.constant 1 : i32
      %sub3A_235 = arith.subi %div3A_214, %sub3A_234 : i32
      %select_n3A_236 = arith.select %and3A_233, %sub3A_235, %div3A_214 : i32
      %jit3A_237 = arith.constant 64 : i32
      %eq3A_238 = arith.constant 0 : i32
      %eq3A_239 = arith.cmpi eq, %jit3A_237, %eq3A_238 : i32
      %jit3A_240 = arith.constant 1 : i32
      %select_n3A_241 = arith.select %eq3A_239, %jit3A_240, %jit3A_237 : i32
      %rem3A_242 = arith.remsi %add3A_146, %select_n3A_241 : i32
      %ne3A_243 = arith.constant 0 : i32
      %ne3A_244 = arith.cmpi ne, %rem3A_242, %ne3A_243 : i32
      %lt3A_245 = arith.constant 0 : i32
      %lt3A_246 = arith.cmpi slt, %rem3A_242, %lt3A_245 : i32
      %lt3A_247 = arith.constant 0 : i32
      %lt3A_248 = arith.cmpi slt, %select_n3A_241, %lt3A_247 : i32
      %ne3A_249 = arith.xori %lt3A_246, %lt3A_248 : i1
      %and3A_250 = arith.andi %ne3A_249, %ne3A_244 : i1
      %add3A_251 = arith.addi %rem3A_242, %select_n3A_241 : i32
      %select_n3A_252 = arith.select %and3A_250, %add3A_251, %rem3A_242 : i32
      %mul3A_253 = arith.constant 8 : i32
      %mul3A_254 = arith.muli %select_n3A_236, %mul3A_253 : i32
      %mul3A_255 = arith.constant 4096 : i32
      %mul3A_256 = arith.muli %mul3A_254, %mul3A_255 : i32
      %mul3A_257 = arith.constant 2 : i32
      %mul3A_258 = arith.muli %select_n3A_252, %mul3A_257 : i32
      %mul3A_259 = arith.constant 8 : i32
      %mul3A_260 = arith.muli %mul3A_258, %mul3A_259 : i32
      %add3A_261 = arith.addi %mul3A_256, %mul3A_260 : i32
      %add3A_262 = arith.addi %add3A_261, %add3A_33 : i32
      %jit3A_263 = arith.constant 2 : i32
      %div3A_264 = vector.broadcast %jit3A_263 : i32 to vector<16xi32>
      %div3A_265 = arith.divsi %iota3A, %div3A_264 : vector<16xi32>
      %sign3A_266 = arith.constant 0 : i32
      %sign3A_267 = vector.broadcast %sign3A_266 : i32 to vector<16xi32>
      %sign3A_268 = arith.cmpi sgt, %iota3A, %sign3A_267 : vector<16xi32>
      %sign3A_269 = arith.extui %sign3A_268 : vector<16xi1> to vector<16xi32>
      %sign3A_270 = arith.constant 0 : i32
      %sign3A_271 = vector.broadcast %sign3A_270 : i32 to vector<16xi32>
      %sign3A_272 = arith.cmpi slt, %iota3A, %sign3A_271 : vector<16xi32>
      %sign3A_273 = arith.extui %sign3A_272 : vector<16xi1> to vector<16xi32>
      %sign3A_274 = arith.subi %sign3A_269, %sign3A_273 : vector<16xi32>
      %sign3A_275 = arith.constant 0 : i32
      %sign3A_276 = arith.cmpi sgt, %jit3A_263, %sign3A_275 : i32
      %sign3A_277 = arith.extui %sign3A_276 : i1 to i32
      %sign3A_278 = arith.constant 0 : i32
      %sign3A_279 = arith.cmpi slt, %jit3A_263, %sign3A_278 : i32
      %sign3A_280 = arith.extui %sign3A_279 : i1 to i32
      %sign3A_281 = arith.subi %sign3A_277, %sign3A_280 : i32
      %ne3A_282 = vector.broadcast %sign3A_281 : i32 to vector<16xi32>
      %ne3A_283 = arith.cmpi ne, %sign3A_274, %ne3A_282 : vector<16xi32>
      %rem3A_284 = vector.broadcast %jit3A_263 : i32 to vector<16xi32>
      %rem3A_285 = arith.remsi %iota3A, %rem3A_284 : vector<16xi32>
      %ne3A_286 = arith.constant 0 : i32
      %ne3A_287 = vector.broadcast %ne3A_286 : i32 to vector<16xi32>
      %ne3A_288 = arith.cmpi ne, %rem3A_285, %ne3A_287 : vector<16xi32>
      %and3A_289 = arith.andi %ne3A_283, %ne3A_288 : vector<16xi1>
      %sub3A_290 = arith.constant 1 : i32
      %sub3A_291 = vector.broadcast %sub3A_290 : i32 to vector<16xi32>
      %sub3A_292 = arith.subi %div3A_265, %sub3A_291 : vector<16xi32>
      %select_n3A_293 = arith.select %and3A_289, %sub3A_292, %div3A_265 : vector<16xi1>, vector<16xi32>
      %mul3A_294 = arith.constant 4096 : i32
      %mul3A_295 = vector.broadcast %mul3A_294 : i32 to vector<16xi32>
      %mul3A_296 = arith.muli %select_n3A_293, %mul3A_295 : vector<16xi32>
      %add3A_297 = vector.broadcast %add3A_262 : i32 to vector<16xi32>
      %add3A_298 = arith.addi %add3A_297, %mul3A_296 : vector<16xi32>
      %rem3A_299 = arith.constant 2 : i32
      %rem3A_300 = vector.broadcast %rem3A_299 : i32 to vector<16xi32>
      %rem3A_301 = arith.remsi %iota3A, %rem3A_300 : vector<16xi32>
      %mul3A_302 = arith.constant 8 : i32
      %mul3A_303 = vector.broadcast %mul3A_302 : i32 to vector<16xi32>
      %mul3A_304 = arith.muli %rem3A_301, %mul3A_303 : vector<16xi32>
      %add3A_305 = arith.addi %add3A_298, %mul3A_304 : vector<16xi32>
      %swap3A = arith.constant 0 : i32
      %swap3A_306 = arith.index_cast %swap3A : i32 to index
      %swap3A_307 = arith.constant 0 : index
      %swap3A_308 = tpu.vector_load %arg8[%swap3A_306, %swap3A_307] {strides = array<i32>} : memref<4x16xi32, #tpu.memory_space<vmem>>, vector<16xi32>,
      tpu.vector_store %arg8[%swap3A_306, %swap3A_307], %add3A_305 {strides = array<i32>} : memref<4x16xi32, #tpu.memory_space<vmem>>, vector<16xi32>,
      %parallel_loop3A = arith.constant 0 : i32
      %parallel_loop3A_309 = arith.constant 2048 : i32
      %parallel_loop3A_310 = arith.constant 16 : i32
      scf.for %parallel_loop3A_881 = %parallel_loop3A to %parallel_loop3A_309 step %parallel_loop3A_310  : i32 {
        %parallel_loop3A_882 = arith.constant 256 : i32
        %parallel_loop3A_883 = arith.divsi %parallel_loop3A_881, %parallel_loop3A_882 : i32
        %parallel_loop3A_884 = arith.constant 0 : i32
        %parallel_loop3A_885 = arith.cmpi sgt, %parallel_loop3A_881, %parallel_loop3A_884 : i32
        %parallel_loop3A_886 = arith.extui %parallel_loop3A_885 : i1 to i32
        %parallel_loop3A_887 = arith.constant 0 : i32
        %parallel_loop3A_888 = arith.cmpi slt, %parallel_loop3A_881, %parallel_loop3A_887 : i32
        %parallel_loop3A_889 = arith.extui %parallel_loop3A_888 : i1 to i32
        %parallel_loop3A_890 = arith.subi %parallel_loop3A_886, %parallel_loop3A_889 : i32
        %parallel_loop3A_891 = arith.constant 0 : i32
        %parallel_loop3A_892 = arith.cmpi sgt, %parallel_loop3A_882, %parallel_loop3A_891 : i32
        %parallel_loop3A_893 = arith.extui %parallel_loop3A_892 : i1 to i32
        %parallel_loop3A_894 = arith.constant 0 : i32
        %parallel_loop3A_895 = arith.cmpi slt, %parallel_loop3A_882, %parallel_loop3A_894 : i32
        %parallel_loop3A_896 = arith.extui %parallel_loop3A_895 : i1 to i32
        %parallel_loop3A_897 = arith.subi %parallel_loop3A_893, %parallel_loop3A_896 : i32
        %parallel_loop3A_898 = arith.cmpi ne, %parallel_loop3A_890, %parallel_loop3A_897 : i32
        %parallel_loop3A_899 = arith.remsi %parallel_loop3A_881, %parallel_loop3A_882 : i32
        %parallel_loop3A_900 = arith.constant 0 : i32
        %parallel_loop3A_901 = arith.cmpi ne, %parallel_loop3A_899, %parallel_loop3A_900 : i32
        %parallel_loop3A_902 = arith.andi %parallel_loop3A_898, %parallel_loop3A_901 : i1
        %parallel_loop3A_903 = arith.constant 1 : i32
        %parallel_loop3A_904 = arith.subi %parallel_loop3A_883, %parallel_loop3A_903 : i32
        %parallel_loop3A_905 = arith.select %parallel_loop3A_902, %parallel_loop3A_904, %parallel_loop3A_883 : i32
        %parallel_loop3A_906 = arith.constant 256 : i32
        %parallel_loop3A_907 = arith.remsi %parallel_loop3A_881, %parallel_loop3A_906 : i32
        %parallel_loop3A_908 = arith.constant 0 : i32
        %parallel_loop3A_909 = arith.index_cast %parallel_loop3A_908 : i32 to index
        %parallel_loop3A_910 = arith.index_cast %parallel_loop3A_905 : i32 to index
        %parallel_loop3A_911 = arith.index_cast %parallel_loop3A_907 : i32 to index
        %parallel_loop3A_912 = tpu.vector_load %arg6[%parallel_loop3A_909, %parallel_loop3A_910, %parallel_loop3A_911] {strides = array<i32>} : memref<4x8x256xi32, #tpu.memory_space<vmem>>, vector<16xi32>,
        %parallel_loop3A_913 = tpu.vector_load_idx %arg5[%parallel_loop3A_912] : memref<100000xf32, #tpu.memory_space<vmem>>[vector<16xi32>], vector<16xf32>,
        %parallel_loop3A_914 = arith.constant 128 : i32
        %parallel_loop3A_915 = arith.divsi %parallel_loop3A_881, %parallel_loop3A_914 : i32
        %parallel_loop3A_916 = arith.constant 0 : i32
        %parallel_loop3A_917 = arith.cmpi sgt, %parallel_loop3A_881, %parallel_loop3A_916 : i32
        %parallel_loop3A_918 = arith.extui %parallel_loop3A_917 : i1 to i32
        %parallel_loop3A_919 = arith.constant 0 : i32
        %parallel_loop3A_920 = arith.cmpi slt, %parallel_loop3A_881, %parallel_loop3A_919 : i32
        %parallel_loop3A_921 = arith.extui %parallel_loop3A_920 : i1 to i32
        %parallel_loop3A_922 = arith.subi %parallel_loop3A_918, %parallel_loop3A_921 : i32
        %parallel_loop3A_923 = arith.constant 0 : i32
        %parallel_loop3A_924 = arith.cmpi sgt, %parallel_loop3A_914, %parallel_loop3A_923 : i32
        %parallel_loop3A_925 = arith.extui %parallel_loop3A_924 : i1 to i32
        %parallel_loop3A_926 = arith.constant 0 : i32
        %parallel_loop3A_927 = arith.cmpi slt, %parallel_loop3A_914, %parallel_loop3A_926 : i32
        %parallel_loop3A_928 = arith.extui %parallel_loop3A_927 : i1 to i32
        %parallel_loop3A_929 = arith.subi %parallel_loop3A_925, %parallel_loop3A_928 : i32
        %parallel_loop3A_930 = arith.cmpi ne, %parallel_loop3A_922, %parallel_loop3A_929 : i32
        %parallel_loop3A_931 = arith.remsi %parallel_loop3A_881, %parallel_loop3A_914 : i32
        %parallel_loop3A_932 = arith.constant 0 : i32
        %parallel_loop3A_933 = arith.cmpi ne, %parallel_loop3A_931, %parallel_loop3A_932 : i32
        %parallel_loop3A_934 = arith.andi %parallel_loop3A_930, %parallel_loop3A_933 : i1
        %parallel_loop3A_935 = arith.constant 1 : i32
        %parallel_loop3A_936 = arith.subi %parallel_loop3A_915, %parallel_loop3A_935 : i32
        %parallel_loop3A_937 = arith.select %parallel_loop3A_934, %parallel_loop3A_936, %parallel_loop3A_915 : i32
        %parallel_loop3A_938 = arith.constant 128 : i32
        %parallel_loop3A_939 = arith.remsi %parallel_loop3A_881, %parallel_loop3A_938 : i32
        %parallel_loop3A_940 = arith.constant 0 : i32
        %parallel_loop3A_941 = arith.index_cast %parallel_loop3A_940 : i32 to index
        %parallel_loop3A_942 = arith.index_cast %parallel_loop3A_937 : i32 to index
        %parallel_loop3A_943 = arith.index_cast %parallel_loop3A_939 : i32 to index
        %parallel_loop3A_944 = tpu.vector_load %arg7[%parallel_loop3A_941, %parallel_loop3A_942, %parallel_loop3A_943] {strides = array<i32>} : memref<4x16x128xf32, #tpu.memory_space<vmem>>, vector<16xf32>,
        tpu.vector_store %arg7[%parallel_loop3A_941, %parallel_loop3A_942, %parallel_loop3A_943], %parallel_loop3A_913 {strides = array<i32>} : memref<4x16x128xf32, #tpu.memory_space<vmem>>, vector<16xf32>,
      } {sc.loop_unroll_factor = 8 : i64, sc.parallel_access}
      %dma_start3A_311 = arith.constant 0 : i32
      %dma_start3A_312 = arith.constant 0 : i32
      %dma_start3A_313 = arith.constant 0 : i32
      %dma_start3A_314 = arith.constant 0 : i32
      %dma_start3A_315 = tpu.memref_slice %arg7[%dma_start3A_311, %dma_start3A_313, %dma_start3A_314] : memref<4x16x128xf32, #tpu.memory_space<vmem>> -> memref<1x16x128xf32, #tpu.memory_space<vmem>>
      %dma_start3A_316 = tpu.memref_squeeze %dma_start3A_315 : memref<1x16x128xf32, #tpu.memory_space<vmem>> -> memref<16x128xf32, #tpu.memory_space<vmem>>
      %dma_start3A_317 = arith.constant 0 : i32
      %dma_start3A_318 = tpu.memref_slice %arg8[%dma_start3A_312, %dma_start3A_317] : memref<4x16xi32, #tpu.memory_space<vmem>> -> memref<1x16xi32, #tpu.memory_space<vmem>>
      %dma_start3A_319 = tpu.memref_squeeze %dma_start3A_318 : memref<1x16xi32, #tpu.memory_space<vmem>> -> memref<16xi32, #tpu.memory_space<vmem>>
      %dma_start3A_320 = arith.constant 0 : i32
      %dma_start3A_321 = arith.constant 0 : i32
      %dma_start3A_322 = tpu.memref_slice %arg4[%dma_start3A_320, %dma_start3A_321] : memref<819200x128xf32, #tpu.memory_space<hbm>> -> memref<819200x128xf32, #tpu.memory_space<hbm>>
      tpu.enqueue_indirect_dma source(%dma_start3A_316 : memref<16x128xf32, #tpu.memory_space<vmem>>) target(%dma_start3A_322 : memref<819200x128xf32, #tpu.memory_space<hbm>>) offsets(%dma_start3A_319 : memref<16xi32, #tpu.memory_space<vmem>>) semaphore(%arg11 : memref<!tpu.dma_semaphore, #tpu.memory_space<semaphore_mem>>)
      %mul3A_323 = arith.constant 4 : i32
      %mul3A_324 = arith.muli %mul3A_323, %scan3A_142 : i32
      %add3A_325 = arith.constant 1 : i32
      %add3A_326 = arith.addi %mul3A_324, %add3A_325 : i32
      %jit3A_327 = arith.constant 64 : i32
      %div3A_328 = arith.divsi %add3A_326, %jit3A_327 : i32
      %sign3A_329 = arith.constant 0 : i32
      %sign3A_330 = arith.cmpi sgt, %add3A_326, %sign3A_329 : i32
      %sign3A_331 = arith.extui %sign3A_330 : i1 to i32
      %sign3A_332 = arith.constant 0 : i32
      %sign3A_333 = arith.cmpi slt, %add3A_326, %sign3A_332 : i32
      %sign3A_334 = arith.extui %sign3A_333 : i1 to i32
      %sign3A_335 = arith.subi %sign3A_331, %sign3A_334 : i32
      %sign3A_336 = arith.constant 0 : i32
      %sign3A_337 = arith.cmpi sgt, %jit3A_327, %sign3A_336 : i32
      %sign3A_338 = arith.extui %sign3A_337 : i1 to i32
      %sign3A_339 = arith.constant 0 : i32
      %sign3A_340 = arith.cmpi slt, %jit3A_327, %sign3A_339 : i32
      %sign3A_341 = arith.extui %sign3A_340 : i1 to i32
      %sign3A_342 = arith.subi %sign3A_338, %sign3A_341 : i32
      %ne3A_343 = arith.cmpi ne, %sign3A_335, %sign3A_342 : i32
      %rem3A_344 = arith.remsi %add3A_326, %jit3A_327 : i32
      %ne3A_345 = arith.constant 0 : i32
      %ne3A_346 = arith.cmpi ne, %rem3A_344, %ne3A_345 : i32
      %and3A_347 = arith.andi %ne3A_343, %ne3A_346 : i1
      %sub3A_348 = arith.constant 1 : i32
      %sub3A_349 = arith.subi %div3A_328, %sub3A_348 : i32
      %select_n3A_350 = arith.select %and3A_347, %sub3A_349, %div3A_328 : i32
      %jit3A_351 = arith.constant 64 : i32
      %eq3A_352 = arith.constant 0 : i32
      %eq3A_353 = arith.cmpi eq, %jit3A_351, %eq3A_352 : i32
      %jit3A_354 = arith.constant 1 : i32
      %select_n3A_355 = arith.select %eq3A_353, %jit3A_354, %jit3A_351 : i32
      %rem3A_356 = arith.remsi %add3A_326, %select_n3A_355 : i32
      %ne3A_357 = arith.constant 0 : i32
      %ne3A_358 = arith.cmpi ne, %rem3A_356, %ne3A_357 : i32
      %lt3A_359 = arith.constant 0 : i32
      %lt3A_360 = arith.cmpi slt, %rem3A_356, %lt3A_359 : i32
      %lt3A_361 = arith.constant 0 : i32
      %lt3A_362 = arith.cmpi slt, %select_n3A_355, %lt3A_361 : i32
      %ne3A_363 = arith.xori %lt3A_360, %lt3A_362 : i1
      %and3A_364 = arith.andi %ne3A_363, %ne3A_358 : i1
      %add3A_365 = arith.addi %rem3A_356, %select_n3A_355 : i32
      %select_n3A_366 = arith.select %and3A_364, %add3A_365, %rem3A_356 : i32
      %mul3A_367 = arith.constant 8 : i32
      %mul3A_368 = arith.muli %select_n3A_350, %mul3A_367 : i32
      %mul3A_369 = arith.constant 256 : i32
      %mul3A_370 = arith.muli %select_n3A_366, %mul3A_369 : i32
      %dma_wait3A_371 = arith.constant 1 : i32
      %dma_wait3A_372 = arith.constant 0 : i32
      %dma_wait3A_373 = arith.constant 0 : i32
      %dma_wait3A_374 = tpu.memref_slice %arg6[%dma_wait3A_371, %dma_wait3A_372, %dma_wait3A_373] : memref<4x8x256xi32, #tpu.memory_space<vmem>> -> memref<1x8x256xi32, #tpu.memory_space<vmem>>
      %dma_wait3A_375 = tpu.memref_squeeze %dma_wait3A_374 : memref<1x8x256xi32, #tpu.memory_space<vmem>> -> memref<8x256xi32, #tpu.memory_space<vmem>>
      %dma_wait3A_376 = tpu.memref_slice %arg2[%mul3A_368, %mul3A_370] : memref<200x16384xi32, #tpu.memory_space<hbm>> -> memref<8x256xi32, #tpu.memory_space<hbm>>
      %dma_wait3A_377 = arith.constant 0 : i32
      %dma_wait3A_378 = arith.constant 0 : i32
      %dma_wait3A_379 = tpu.memref_slice %arg6[%dma_wait3A_371, %dma_wait3A_377, %dma_wait3A_378] : memref<4x8x256xi32, #tpu.memory_space<vmem>> -> memref<1x8x256xi32, #tpu.memory_space<vmem>>
      %dma_wait3A_380 = tpu.memref_squeeze %dma_wait3A_379 : memref<1x8x256xi32, #tpu.memory_space<vmem>> -> memref<8x256xi32, #tpu.memory_space<vmem>>
      %dma_wait3A_381 = tpu.memref_slice %arg2[%mul3A_368, %mul3A_370] : memref<200x16384xi32, #tpu.memory_space<hbm>> -> memref<8x256xi32, #tpu.memory_space<hbm>>
      tpu.wait_dma2 semaphore(%arg10 : memref<!tpu.dma_semaphore, #tpu.memory_space<semaphore_mem>>) src(%dma_wait3A_381 : memref<8x256xi32, #tpu.memory_space<hbm>>) dst(%dma_wait3A_380 : memref<8x256xi32, #tpu.memory_space<vmem>>)
      %add3A_382 = arith.constant 4 : i32
      %add3A_383 = arith.addi %add3A_326, %add3A_382 : i32
      %sub3A_384 = arith.constant 1 : i32
      %sub3A_385 = arith.subi %add3A_383, %sub3A_384 : i32
      %lt3A_386 = arith.constant 1600 : i32
      %lt3A_387 = arith.cmpi slt, %sub3A_385, %lt3A_386 : i32
      %convert_element_type3A_388 = arith.extui %lt3A_387 : i1 to i32
      %cond3A_389 = arith.constant 0 : i32
      %cond3A_390 = arith.cmpi ne, %convert_element_type3A_388, %cond3A_389 : i32
      scf.if %cond3A_390 {
        %add3A_881 = arith.constant 4 : i32
        %add3A_882 = arith.addi %add3A_326, %add3A_881 : i32
        %sub3A_883 = arith.constant 1 : i32
        %sub3A_884 = arith.subi %add3A_882, %sub3A_883 : i32
        %jit3A_885 = arith.constant 64 : i32
        %div3A_886 = arith.divsi %sub3A_884, %jit3A_885 : i32
        %sign3A_887 = arith.constant 0 : i32
        %sign3A_888 = arith.cmpi sgt, %sub3A_884, %sign3A_887 : i32
        %sign3A_889 = arith.extui %sign3A_888 : i1 to i32
        %sign3A_890 = arith.constant 0 : i32
        %sign3A_891 = arith.cmpi slt, %sub3A_884, %sign3A_890 : i32
        %sign3A_892 = arith.extui %sign3A_891 : i1 to i32
        %sign3A_893 = arith.subi %sign3A_889, %sign3A_892 : i32
        %sign3A_894 = arith.constant 0 : i32
        %sign3A_895 = arith.cmpi sgt, %jit3A_885, %sign3A_894 : i32
        %sign3A_896 = arith.extui %sign3A_895 : i1 to i32
        %sign3A_897 = arith.constant 0 : i32
        %sign3A_898 = arith.cmpi slt, %jit3A_885, %sign3A_897 : i32
        %sign3A_899 = arith.extui %sign3A_898 : i1 to i32
        %sign3A_900 = arith.subi %sign3A_896, %sign3A_899 : i32
        %ne3A_901 = arith.cmpi ne, %sign3A_893, %sign3A_900 : i32
        %rem3A_902 = arith.remsi %sub3A_884, %jit3A_885 : i32
        %ne3A_903 = arith.constant 0 : i32
        %ne3A_904 = arith.cmpi ne, %rem3A_902, %ne3A_903 : i32
        %and3A_905 = arith.andi %ne3A_901, %ne3A_904 : i1
        %sub3A_906 = arith.constant 1 : i32
        %sub3A_907 = arith.subi %div3A_886, %sub3A_906 : i32
        %select_n3A_908 = arith.select %and3A_905, %sub3A_907, %div3A_886 : i32
        %jit3A_909 = arith.constant 64 : i32
        %eq3A_910 = arith.constant 0 : i32
        %eq3A_911 = arith.cmpi eq, %jit3A_909, %eq3A_910 : i32
        %jit3A_912 = arith.constant 1 : i32
        %select_n3A_913 = arith.select %eq3A_911, %jit3A_912, %jit3A_909 : i32
        %rem3A_914 = arith.remsi %sub3A_884, %select_n3A_913 : i32
        %ne3A_915 = arith.constant 0 : i32
        %ne3A_916 = arith.cmpi ne, %rem3A_914, %ne3A_915 : i32
        %lt3A_917 = arith.constant 0 : i32
        %lt3A_918 = arith.cmpi slt, %rem3A_914, %lt3A_917 : i32
        %lt3A_919 = arith.constant 0 : i32
        %lt3A_920 = arith.cmpi slt, %select_n3A_913, %lt3A_919 : i32
        %ne3A_921 = arith.xori %lt3A_918, %lt3A_920 : i1
        %and3A_922 = arith.andi %ne3A_921, %ne3A_916 : i1
        %add3A_923 = arith.addi %rem3A_914, %select_n3A_913 : i32
        %select_n3A_924 = arith.select %and3A_922, %add3A_923, %rem3A_914 : i32
        %mul3A_925 = arith.constant 8 : i32
        %mul3A_926 = arith.muli %select_n3A_908, %mul3A_925 : i32
        %mul3A_927 = arith.constant 256 : i32
        %mul3A_928 = arith.muli %select_n3A_924, %mul3A_927 : i32
        %dma_start3A_929 = arith.constant 0 : i32
        %dma_start3A_930 = arith.constant 0 : i32
        %dma_start3A_931 = arith.constant 0 : i32
        %dma_start3A_932 = tpu.memref_slice %arg6[%dma_start3A_929, %dma_start3A_930, %dma_start3A_931] : memref<4x8x256xi32, #tpu.memory_space<vmem>> -> memref<1x8x256xi32, #tpu.memory_space<vmem>>
        %dma_start3A_933 = tpu.memref_squeeze %dma_start3A_932 : memref<1x8x256xi32, #tpu.memory_space<vmem>> -> memref<8x256xi32, #tpu.memory_space<vmem>>
        %dma_start3A_934 = tpu.memref_slice %arg2[%mul3A_926, %mul3A_928] : memref<200x16384xi32, #tpu.memory_space<hbm>> -> memref<8x256xi32, #tpu.memory_space<hbm>>
        %dma_start3A_935 = arith.constant 0 : i32
        %dma_start3A_936 = arith.constant 0 : i32
        %dma_start3A_937 = tpu.memref_slice %arg6[%dma_start3A_929, %dma_start3A_935, %dma_start3A_936] : memref<4x8x256xi32, #tpu.memory_space<vmem>> -> memref<1x8x256xi32, #tpu.memory_space<vmem>>
        %dma_start3A_938 = tpu.memref_squeeze %dma_start3A_937 : memref<1x8x256xi32, #tpu.memory_space<vmem>> -> memref<8x256xi32, #tpu.memory_space<vmem>>
        %dma_start3A_939 = tpu.memref_slice %arg2[%mul3A_926, %mul3A_928] : memref<200x16384xi32, #tpu.memory_space<hbm>> -> memref<8x256xi32, #tpu.memory_space<hbm>>
        tpu.enqueue_dma source(%dma_start3A_939 : memref<8x256xi32, #tpu.memory_space<hbm>>) target(%dma_start3A_938 : memref<8x256xi32, #tpu.memory_space<vmem>>) target_semaphore(%arg10 : memref<!tpu.dma_semaphore, #tpu.memory_space<semaphore_mem>>)
      } else {
      }
      %ge3A_391 = arith.constant 4 : i32
      %ge3A_392 = arith.cmpi sge, %add3A_326, %ge3A_391 : i32
      %convert_element_type3A_393 = arith.extui %ge3A_392 : i1 to i32
      %cond3A_394 = arith.constant 0 : i32
      %cond3A_395 = arith.cmpi ne, %convert_element_type3A_393, %cond3A_394 : i32
      scf.if %cond3A_395 {
        %dma_wait3A_881 = arith.constant 1 : i32
        %dma_wait3A_882 = arith.constant 1 : i32
        %dma_wait3A_883 = arith.constant 0 : i32
        %dma_wait3A_884 = arith.constant 0 : i32
        %dma_wait3A_885 = tpu.memref_slice %arg7[%dma_wait3A_881, %dma_wait3A_883, %dma_wait3A_884] : memref<4x16x128xf32, #tpu.memory_space<vmem>> -> memref<1x16x128xf32, #tpu.memory_space<vmem>>
        %dma_wait3A_886 = tpu.memref_squeeze %dma_wait3A_885 : memref<1x16x128xf32, #tpu.memory_space<vmem>> -> memref<16x128xf32, #tpu.memory_space<vmem>>
        %dma_wait3A_887 = arith.constant 0 : i32
        %dma_wait3A_888 = tpu.memref_slice %arg8[%dma_wait3A_882, %dma_wait3A_887] : memref<4x16xi32, #tpu.memory_space<vmem>> -> memref<1x16xi32, #tpu.memory_space<vmem>>
        %dma_wait3A_889 = tpu.memref_squeeze %dma_wait3A_888 : memref<1x16xi32, #tpu.memory_space<vmem>> -> memref<16xi32, #tpu.memory_space<vmem>>
        %dma_wait3A_890 = arith.constant 0 : i32
        %dma_wait3A_891 = arith.constant 0 : i32
        %dma_wait3A_892 = tpu.memref_slice %arg4[%dma_wait3A_890, %dma_wait3A_891] : memref<819200x128xf32, #tpu.memory_space<hbm>> -> memref<819200x128xf32, #tpu.memory_space<hbm>>
        tpu.wait_indirect_dma semaphore(%arg11 : memref<!tpu.dma_semaphore, #tpu.memory_space<semaphore_mem>>) src(%dma_wait3A_886 : memref<16x128xf32, #tpu.memory_space<vmem>>) dst(%dma_wait3A_892 : memref<819200x128xf32, #tpu.memory_space<hbm>>)
      } else {
      }
      %iota3A_396 = tpu.iota {dimensions = array<i32: 0>} : vector<16xi32>
      %jit3A_397 = arith.constant 64 : i32
      %div3A_398 = arith.divsi %add3A_326, %jit3A_397 : i32
      %sign3A_399 = arith.constant 0 : i32
      %sign3A_400 = arith.cmpi sgt, %add3A_326, %sign3A_399 : i32
      %sign3A_401 = arith.extui %sign3A_400 : i1 to i32
      %sign3A_402 = arith.constant 0 : i32
      %sign3A_403 = arith.cmpi slt, %add3A_326, %sign3A_402 : i32
      %sign3A_404 = arith.extui %sign3A_403 : i1 to i32
      %sign3A_405 = arith.subi %sign3A_401, %sign3A_404 : i32
      %sign3A_406 = arith.constant 0 : i32
      %sign3A_407 = arith.cmpi sgt, %jit3A_397, %sign3A_406 : i32
      %sign3A_408 = arith.extui %sign3A_407 : i1 to i32
      %sign3A_409 = arith.constant 0 : i32
      %sign3A_410 = arith.cmpi slt, %jit3A_397, %sign3A_409 : i32
      %sign3A_411 = arith.extui %sign3A_410 : i1 to i32
      %sign3A_412 = arith.subi %sign3A_408, %sign3A_411 : i32
      %ne3A_413 = arith.cmpi ne, %sign3A_405, %sign3A_412 : i32
      %rem3A_414 = arith.remsi %add3A_326, %jit3A_397 : i32
      %ne3A_415 = arith.constant 0 : i32
      %ne3A_416 = arith.cmpi ne, %rem3A_414, %ne3A_415 : i32
      %and3A_417 = arith.andi %ne3A_413, %ne3A_416 : i1
      %sub3A_418 = arith.constant 1 : i32
      %sub3A_419 = arith.subi %div3A_398, %sub3A_418 : i32
      %select_n3A_420 = arith.select %and3A_417, %sub3A_419, %div3A_398 : i32
      %jit3A_421 = arith.constant 64 : i32
      %eq3A_422 = arith.constant 0 : i32
      %eq3A_423 = arith.cmpi eq, %jit3A_421, %eq3A_422 : i32
      %jit3A_424 = arith.constant 1 : i32
      %select_n3A_425 = arith.select %eq3A_423, %jit3A_424, %jit3A_421 : i32
      %rem3A_426 = arith.remsi %add3A_326, %select_n3A_425 : i32
      %ne3A_427 = arith.constant 0 : i32
      %ne3A_428 = arith.cmpi ne, %rem3A_426, %ne3A_427 : i32
      %lt3A_429 = arith.constant 0 : i32
      %lt3A_430 = arith.cmpi slt, %rem3A_426, %lt3A_429 : i32
      %lt3A_431 = arith.constant 0 : i32
      %lt3A_432 = arith.cmpi slt, %select_n3A_425, %lt3A_431 : i32
      %ne3A_433 = arith.xori %lt3A_430, %lt3A_432 : i1
      %and3A_434 = arith.andi %ne3A_433, %ne3A_428 : i1
      %add3A_435 = arith.addi %rem3A_426, %select_n3A_425 : i32
      %select_n3A_436 = arith.select %and3A_434, %add3A_435, %rem3A_426 : i32
      %mul3A_437 = arith.constant 8 : i32
      %mul3A_438 = arith.muli %select_n3A_420, %mul3A_437 : i32
      %mul3A_439 = arith.constant 4096 : i32
      %mul3A_440 = arith.muli %mul3A_438, %mul3A_439 : i32
      %mul3A_441 = arith.constant 2 : i32
      %mul3A_442 = arith.muli %select_n3A_436, %mul3A_441 : i32
      %mul3A_443 = arith.constant 8 : i32
      %mul3A_444 = arith.muli %mul3A_442, %mul3A_443 : i32
      %add3A_445 = arith.addi %mul3A_440, %mul3A_444 : i32
      %add3A_446 = arith.addi %add3A_445, %add3A_33 : i32
      %jit3A_447 = arith.constant 2 : i32
      %div3A_448 = vector.broadcast %jit3A_447 : i32 to vector<16xi32>
      %div3A_449 = arith.divsi %iota3A_396, %div3A_448 : vector<16xi32>
      %sign3A_450 = arith.constant 0 : i32
      %sign3A_451 = vector.broadcast %sign3A_450 : i32 to vector<16xi32>
      %sign3A_452 = arith.cmpi sgt, %iota3A_396, %sign3A_451 : vector<16xi32>
      %sign3A_453 = arith.extui %sign3A_452 : vector<16xi1> to vector<16xi32>
      %sign3A_454 = arith.constant 0 : i32
      %sign3A_455 = vector.broadcast %sign3A_454 : i32 to vector<16xi32>
      %sign3A_456 = arith.cmpi slt, %iota3A_396, %sign3A_455 : vector<16xi32>
      %sign3A_457 = arith.extui %sign3A_456 : vector<16xi1> to vector<16xi32>
      %sign3A_458 = arith.subi %sign3A_453, %sign3A_457 : vector<16xi32>
      %sign3A_459 = arith.constant 0 : i32
      %sign3A_460 = arith.cmpi sgt, %jit3A_447, %sign3A_459 : i32
      %sign3A_461 = arith.extui %sign3A_460 : i1 to i32
      %sign3A_462 = arith.constant 0 : i32
      %sign3A_463 = arith.cmpi slt, %jit3A_447, %sign3A_462 : i32
      %sign3A_464 = arith.extui %sign3A_463 : i1 to i32
      %sign3A_465 = arith.subi %sign3A_461, %sign3A_464 : i32
      %ne3A_466 = vector.broadcast %sign3A_465 : i32 to vector<16xi32>
      %ne3A_467 = arith.cmpi ne, %sign3A_458, %ne3A_466 : vector<16xi32>
      %rem3A_468 = vector.broadcast %jit3A_447 : i32 to vector<16xi32>
      %rem3A_469 = arith.remsi %iota3A_396, %rem3A_468 : vector<16xi32>
      %ne3A_470 = arith.constant 0 : i32
      %ne3A_471 = vector.broadcast %ne3A_470 : i32 to vector<16xi32>
      %ne3A_472 = arith.cmpi ne, %rem3A_469, %ne3A_471 : vector<16xi32>
      %and3A_473 = arith.andi %ne3A_467, %ne3A_472 : vector<16xi1>
      %sub3A_474 = arith.constant 1 : i32
      %sub3A_475 = vector.broadcast %sub3A_474 : i32 to vector<16xi32>
      %sub3A_476 = arith.subi %div3A_449, %sub3A_475 : vector<16xi32>
      %select_n3A_477 = arith.select %and3A_473, %sub3A_476, %div3A_449 : vector<16xi1>, vector<16xi32>
      %mul3A_478 = arith.constant 4096 : i32
      %mul3A_479 = vector.broadcast %mul3A_478 : i32 to vector<16xi32>
      %mul3A_480 = arith.muli %select_n3A_477, %mul3A_479 : vector<16xi32>
      %add3A_481 = vector.broadcast %add3A_446 : i32 to vector<16xi32>
      %add3A_482 = arith.addi %add3A_481, %mul3A_480 : vector<16xi32>
      %rem3A_483 = arith.constant 2 : i32
      %rem3A_484 = vector.broadcast %rem3A_483 : i32 to vector<16xi32>
      %rem3A_485 = arith.remsi %iota3A_396, %rem3A_484 : vector<16xi32>
      %mul3A_486 = arith.constant 8 : i32
      %mul3A_487 = vector.broadcast %mul3A_486 : i32 to vector<16xi32>
      %mul3A_488 = arith.muli %rem3A_485, %mul3A_487 : vector<16xi32>
      %add3A_489 = arith.addi %add3A_482, %mul3A_488 : vector<16xi32>
      %swap3A_490 = arith.constant 1 : i32
      %swap3A_491 = arith.index_cast %swap3A_490 : i32 to index
      %swap3A_492 = arith.constant 0 : index
      %swap3A_493 = tpu.vector_load %arg8[%swap3A_491, %swap3A_492] {strides = array<i32>} : memref<4x16xi32, #tpu.memory_space<vmem>>, vector<16xi32>,
      tpu.vector_store %arg8[%swap3A_491, %swap3A_492], %add3A_489 {strides = array<i32>} : memref<4x16xi32, #tpu.memory_space<vmem>>, vector<16xi32>,
      %parallel_loop3A_494 = arith.constant 0 : i32
      %parallel_loop3A_495 = arith.constant 2048 : i32
      %parallel_loop3A_496 = arith.constant 16 : i32
      scf.for %parallel_loop3A_881 = %parallel_loop3A_494 to %parallel_loop3A_495 step %parallel_loop3A_496  : i32 {
        %parallel_loop3A_882 = arith.constant 256 : i32
        %parallel_loop3A_883 = arith.divsi %parallel_loop3A_881, %parallel_loop3A_882 : i32
        %parallel_loop3A_884 = arith.constant 0 : i32
        %parallel_loop3A_885 = arith.cmpi sgt, %parallel_loop3A_881, %parallel_loop3A_884 : i32
        %parallel_loop3A_886 = arith.extui %parallel_loop3A_885 : i1 to i32
        %parallel_loop3A_887 = arith.constant 0 : i32
        %parallel_loop3A_888 = arith.cmpi slt, %parallel_loop3A_881, %parallel_loop3A_887 : i32
        %parallel_loop3A_889 = arith.extui %parallel_loop3A_888 : i1 to i32
        %parallel_loop3A_890 = arith.subi %parallel_loop3A_886, %parallel_loop3A_889 : i32
        %parallel_loop3A_891 = arith.constant 0 : i32
        %parallel_loop3A_892 = arith.cmpi sgt, %parallel_loop3A_882, %parallel_loop3A_891 : i32
        %parallel_loop3A_893 = arith.extui %parallel_loop3A_892 : i1 to i32
        %parallel_loop3A_894 = arith.constant 0 : i32
        %parallel_loop3A_895 = arith.cmpi slt, %parallel_loop3A_882, %parallel_loop3A_894 : i32
        %parallel_loop3A_896 = arith.extui %parallel_loop3A_895 : i1 to i32
        %parallel_loop3A_897 = arith.subi %parallel_loop3A_893, %parallel_loop3A_896 : i32
        %parallel_loop3A_898 = arith.cmpi ne, %parallel_loop3A_890, %parallel_loop3A_897 : i32
        %parallel_loop3A_899 = arith.remsi %parallel_loop3A_881, %parallel_loop3A_882 : i32
        %parallel_loop3A_900 = arith.constant 0 : i32
        %parallel_loop3A_901 = arith.cmpi ne, %parallel_loop3A_899, %parallel_loop3A_900 : i32
        %parallel_loop3A_902 = arith.andi %parallel_loop3A_898, %parallel_loop3A_901 : i1
        %parallel_loop3A_903 = arith.constant 1 : i32
        %parallel_loop3A_904 = arith.subi %parallel_loop3A_883, %parallel_loop3A_903 : i32
        %parallel_loop3A_905 = arith.select %parallel_loop3A_902, %parallel_loop3A_904, %parallel_loop3A_883 : i32
        %parallel_loop3A_906 = arith.constant 256 : i32
        %parallel_loop3A_907 = arith.remsi %parallel_loop3A_881, %parallel_loop3A_906 : i32
        %parallel_loop3A_908 = arith.constant 1 : i32
        %parallel_loop3A_909 = arith.index_cast %parallel_loop3A_908 : i32 to index
        %parallel_loop3A_910 = arith.index_cast %parallel_loop3A_905 : i32 to index
        %parallel_loop3A_911 = arith.index_cast %parallel_loop3A_907 : i32 to index
        %parallel_loop3A_912 = tpu.vector_load %arg6[%parallel_loop3A_909, %parallel_loop3A_910, %parallel_loop3A_911] {strides = array<i32>} : memref<4x8x256xi32, #tpu.memory_space<vmem>>, vector<16xi32>,
        %parallel_loop3A_913 = tpu.vector_load_idx %arg5[%parallel_loop3A_912] : memref<100000xf32, #tpu.memory_space<vmem>>[vector<16xi32>], vector<16xf32>,
        %parallel_loop3A_914 = arith.constant 128 : i32
        %parallel_loop3A_915 = arith.divsi %parallel_loop3A_881, %parallel_loop3A_914 : i32
        %parallel_loop3A_916 = arith.constant 0 : i32
        %parallel_loop3A_917 = arith.cmpi sgt, %parallel_loop3A_881, %parallel_loop3A_916 : i32
        %parallel_loop3A_918 = arith.extui %parallel_loop3A_917 : i1 to i32
        %parallel_loop3A_919 = arith.constant 0 : i32
        %parallel_loop3A_920 = arith.cmpi slt, %parallel_loop3A_881, %parallel_loop3A_919 : i32
        %parallel_loop3A_921 = arith.extui %parallel_loop3A_920 : i1 to i32
        %parallel_loop3A_922 = arith.subi %parallel_loop3A_918, %parallel_loop3A_921 : i32
        %parallel_loop3A_923 = arith.constant 0 : i32
        %parallel_loop3A_924 = arith.cmpi sgt, %parallel_loop3A_914, %parallel_loop3A_923 : i32
        %parallel_loop3A_925 = arith.extui %parallel_loop3A_924 : i1 to i32
        %parallel_loop3A_926 = arith.constant 0 : i32
        %parallel_loop3A_927 = arith.cmpi slt, %parallel_loop3A_914, %parallel_loop3A_926 : i32
        %parallel_loop3A_928 = arith.extui %parallel_loop3A_927 : i1 to i32
        %parallel_loop3A_929 = arith.subi %parallel_loop3A_925, %parallel_loop3A_928 : i32
        %parallel_loop3A_930 = arith.cmpi ne, %parallel_loop3A_922, %parallel_loop3A_929 : i32
        %parallel_loop3A_931 = arith.remsi %parallel_loop3A_881, %parallel_loop3A_914 : i32
        %parallel_loop3A_932 = arith.constant 0 : i32
        %parallel_loop3A_933 = arith.cmpi ne, %parallel_loop3A_931, %parallel_loop3A_932 : i32
        %parallel_loop3A_934 = arith.andi %parallel_loop3A_930, %parallel_loop3A_933 : i1
        %parallel_loop3A_935 = arith.constant 1 : i32
        %parallel_loop3A_936 = arith.subi %parallel_loop3A_915, %parallel_loop3A_935 : i32
        %parallel_loop3A_937 = arith.select %parallel_loop3A_934, %parallel_loop3A_936, %parallel_loop3A_915 : i32
        %parallel_loop3A_938 = arith.constant 128 : i32
        %parallel_loop3A_939 = arith.remsi %parallel_loop3A_881, %parallel_loop3A_938 : i32
        %parallel_loop3A_940 = arith.constant 1 : i32
        %parallel_loop3A_941 = arith.index_cast %parallel_loop3A_940 : i32 to index
        %parallel_loop3A_942 = arith.index_cast %parallel_loop3A_937 : i32 to index
        %parallel_loop3A_943 = arith.index_cast %parallel_loop3A_939 : i32 to index
        %parallel_loop3A_944 = tpu.vector_load %arg7[%parallel_loop3A_941, %parallel_loop3A_942, %parallel_loop3A_943] {strides = array<i32>} : memref<4x16x128xf32, #tpu.memory_space<vmem>>, vector<16xf32>,
        tpu.vector_store %arg7[%parallel_loop3A_941, %parallel_loop3A_942, %parallel_loop3A_943], %parallel_loop3A_913 {strides = array<i32>} : memref<4x16x128xf32, #tpu.memory_space<vmem>>, vector<16xf32>,
      } {sc.loop_unroll_factor = 8 : i64, sc.parallel_access}
      %dma_start3A_497 = arith.constant 1 : i32
      %dma_start3A_498 = arith.constant 1 : i32
      %dma_start3A_499 = arith.constant 0 : i32
      %dma_start3A_500 = arith.constant 0 : i32
      %dma_start3A_501 = tpu.memref_slice %arg7[%dma_start3A_497, %dma_start3A_499, %dma_start3A_500] : memref<4x16x128xf32, #tpu.memory_space<vmem>> -> memref<1x16x128xf32, #tpu.memory_space<vmem>>
      %dma_start3A_502 = tpu.memref_squeeze %dma_start3A_501 : memref<1x16x128xf32, #tpu.memory_space<vmem>> -> memref<16x128xf32, #tpu.memory_space<vmem>>
      %dma_start3A_503 = arith.constant 0 : i32
      %dma_start3A_504 = tpu.memref_slice %arg8[%dma_start3A_498, %dma_start3A_503] : memref<4x16xi32, #tpu.memory_space<vmem>> -> memref<1x16xi32, #tpu.memory_space<vmem>>
      %dma_start3A_505 = tpu.memref_squeeze %dma_start3A_504 : memref<1x16xi32, #tpu.memory_space<vmem>> -> memref<16xi32, #tpu.memory_space<vmem>>
      %dma_start3A_506 = arith.constant 0 : i32
      %dma_start3A_507 = arith.constant 0 : i32
      %dma_start3A_508 = tpu.memref_slice %arg4[%dma_start3A_506, %dma_start3A_507] : memref<819200x128xf32, #tpu.memory_space<hbm>> -> memref<819200x128xf32, #tpu.memory_space<hbm>>
      tpu.enqueue_indirect_dma source(%dma_start3A_502 : memref<16x128xf32, #tpu.memory_space<vmem>>) target(%dma_start3A_508 : memref<819200x128xf32, #tpu.memory_space<hbm>>) offsets(%dma_start3A_505 : memref<16xi32, #tpu.memory_space<vmem>>) semaphore(%arg11 : memref<!tpu.dma_semaphore, #tpu.memory_space<semaphore_mem>>)
      %mul3A_509 = arith.constant 4 : i32
      %mul3A_510 = arith.muli %mul3A_509, %scan3A_142 : i32
      %add3A_511 = arith.constant 2 : i32
      %add3A_512 = arith.addi %mul3A_510, %add3A_511 : i32
      %jit3A_513 = arith.constant 64 : i32
      %div3A_514 = arith.divsi %add3A_512, %jit3A_513 : i32
      %sign3A_515 = arith.constant 0 : i32
      %sign3A_516 = arith.cmpi sgt, %add3A_512, %sign3A_515 : i32
      %sign3A_517 = arith.extui %sign3A_516 : i1 to i32
      %sign3A_518 = arith.constant 0 : i32
      %sign3A_519 = arith.cmpi slt, %add3A_512, %sign3A_518 : i32
      %sign3A_520 = arith.extui %sign3A_519 : i1 to i32
      %sign3A_521 = arith.subi %sign3A_517, %sign3A_520 : i32
      %sign3A_522 = arith.constant 0 : i32
      %sign3A_523 = arith.cmpi sgt, %jit3A_513, %sign3A_522 : i32
      %sign3A_524 = arith.extui %sign3A_523 : i1 to i32
      %sign3A_525 = arith.constant 0 : i32
      %sign3A_526 = arith.cmpi slt, %jit3A_513, %sign3A_525 : i32
      %sign3A_527 = arith.extui %sign3A_526 : i1 to i32
      %sign3A_528 = arith.subi %sign3A_524, %sign3A_527 : i32
      %ne3A_529 = arith.cmpi ne, %sign3A_521, %sign3A_528 : i32
      %rem3A_530 = arith.remsi %add3A_512, %jit3A_513 : i32
      %ne3A_531 = arith.constant 0 : i32
      %ne3A_532 = arith.cmpi ne, %rem3A_530, %ne3A_531 : i32
      %and3A_533 = arith.andi %ne3A_529, %ne3A_532 : i1
      %sub3A_534 = arith.constant 1 : i32
      %sub3A_535 = arith.subi %div3A_514, %sub3A_534 : i32
      %select_n3A_536 = arith.select %and3A_533, %sub3A_535, %div3A_514 : i32
      %jit3A_537 = arith.constant 64 : i32
      %eq3A_538 = arith.constant 0 : i32
      %eq3A_539 = arith.cmpi eq, %jit3A_537, %eq3A_538 : i32
      %jit3A_540 = arith.constant 1 : i32
      %select_n3A_541 = arith.select %eq3A_539, %jit3A_540, %jit3A_537 : i32
      %rem3A_542 = arith.remsi %add3A_512, %select_n3A_541 : i32
      %ne3A_543 = arith.constant 0 : i32
      %ne3A_544 = arith.cmpi ne, %rem3A_542, %ne3A_543 : i32
      %lt3A_545 = arith.constant 0 : i32
      %lt3A_546 = arith.cmpi slt, %rem3A_542, %lt3A_545 : i32
      %lt3A_547 = arith.constant 0 : i32
      %lt3A_548 = arith.cmpi slt, %select_n3A_541, %lt3A_547 : i32
      %ne3A_549 = arith.xori %lt3A_546, %lt3A_548 : i1
      %and3A_550 = arith.andi %ne3A_549, %ne3A_544 : i1
      %add3A_551 = arith.addi %rem3A_542, %select_n3A_541 : i32
      %select_n3A_552 = arith.select %and3A_550, %add3A_551, %rem3A_542 : i32
      %mul3A_553 = arith.constant 8 : i32
      %mul3A_554 = arith.muli %select_n3A_536, %mul3A_553 : i32
      %mul3A_555 = arith.constant 256 : i32
      %mul3A_556 = arith.muli %select_n3A_552, %mul3A_555 : i32
      %dma_wait3A_557 = arith.constant 2 : i32
      %dma_wait3A_558 = arith.constant 0 : i32
      %dma_wait3A_559 = arith.constant 0 : i32
      %dma_wait3A_560 = tpu.memref_slice %arg6[%dma_wait3A_557, %dma_wait3A_558, %dma_wait3A_559] : memref<4x8x256xi32, #tpu.memory_space<vmem>> -> memref<1x8x256xi32, #tpu.memory_space<vmem>>
      %dma_wait3A_561 = tpu.memref_squeeze %dma_wait3A_560 : memref<1x8x256xi32, #tpu.memory_space<vmem>> -> memref<8x256xi32, #tpu.memory_space<vmem>>
      %dma_wait3A_562 = tpu.memref_slice %arg2[%mul3A_554, %mul3A_556] : memref<200x16384xi32, #tpu.memory_space<hbm>> -> memref<8x256xi32, #tpu.memory_space<hbm>>
      %dma_wait3A_563 = arith.constant 0 : i32
      %dma_wait3A_564 = arith.constant 0 : i32
      %dma_wait3A_565 = tpu.memref_slice %arg6[%dma_wait3A_557, %dma_wait3A_563, %dma_wait3A_564] : memref<4x8x256xi32, #tpu.memory_space<vmem>> -> memref<1x8x256xi32, #tpu.memory_space<vmem>>
      %dma_wait3A_566 = tpu.memref_squeeze %dma_wait3A_565 : memref<1x8x256xi32, #tpu.memory_space<vmem>> -> memref<8x256xi32, #tpu.memory_space<vmem>>
      %dma_wait3A_567 = tpu.memref_slice %arg2[%mul3A_554, %mul3A_556] : memref<200x16384xi32, #tpu.memory_space<hbm>> -> memref<8x256xi32, #tpu.memory_space<hbm>>
      tpu.wait_dma2 semaphore(%arg10 : memref<!tpu.dma_semaphore, #tpu.memory_space<semaphore_mem>>) src(%dma_wait3A_567 : memref<8x256xi32, #tpu.memory_space<hbm>>) dst(%dma_wait3A_566 : memref<8x256xi32, #tpu.memory_space<vmem>>)
      %add3A_568 = arith.constant 4 : i32
      %add3A_569 = arith.addi %add3A_512, %add3A_568 : i32
      %sub3A_570 = arith.constant 1 : i32
      %sub3A_571 = arith.subi %add3A_569, %sub3A_570 : i32
      %lt3A_572 = arith.constant 1600 : i32
      %lt3A_573 = arith.cmpi slt, %sub3A_571, %lt3A_572 : i32
      %convert_element_type3A_574 = arith.extui %lt3A_573 : i1 to i32
      %cond3A_575 = arith.constant 0 : i32
      %cond3A_576 = arith.cmpi ne, %convert_element_type3A_574, %cond3A_575 : i32
      scf.if %cond3A_576 {
        %add3A_881 = arith.constant 4 : i32
        %add3A_882 = arith.addi %add3A_512, %add3A_881 : i32
        %sub3A_883 = arith.constant 1 : i32
        %sub3A_884 = arith.subi %add3A_882, %sub3A_883 : i32
        %jit3A_885 = arith.constant 64 : i32
        %div3A_886 = arith.divsi %sub3A_884, %jit3A_885 : i32
        %sign3A_887 = arith.constant 0 : i32
        %sign3A_888 = arith.cmpi sgt, %sub3A_884, %sign3A_887 : i32
        %sign3A_889 = arith.extui %sign3A_888 : i1 to i32
        %sign3A_890 = arith.constant 0 : i32
        %sign3A_891 = arith.cmpi slt, %sub3A_884, %sign3A_890 : i32
        %sign3A_892 = arith.extui %sign3A_891 : i1 to i32
        %sign3A_893 = arith.subi %sign3A_889, %sign3A_892 : i32
        %sign3A_894 = arith.constant 0 : i32
        %sign3A_895 = arith.cmpi sgt, %jit3A_885, %sign3A_894 : i32
        %sign3A_896 = arith.extui %sign3A_895 : i1 to i32
        %sign3A_897 = arith.constant 0 : i32
        %sign3A_898 = arith.cmpi slt, %jit3A_885, %sign3A_897 : i32
        %sign3A_899 = arith.extui %sign3A_898 : i1 to i32
        %sign3A_900 = arith.subi %sign3A_896, %sign3A_899 : i32
        %ne3A_901 = arith.cmpi ne, %sign3A_893, %sign3A_900 : i32
        %rem3A_902 = arith.remsi %sub3A_884, %jit3A_885 : i32
        %ne3A_903 = arith.constant 0 : i32
        %ne3A_904 = arith.cmpi ne, %rem3A_902, %ne3A_903 : i32
        %and3A_905 = arith.andi %ne3A_901, %ne3A_904 : i1
        %sub3A_906 = arith.constant 1 : i32
        %sub3A_907 = arith.subi %div3A_886, %sub3A_906 : i32
        %select_n3A_908 = arith.select %and3A_905, %sub3A_907, %div3A_886 : i32
        %jit3A_909 = arith.constant 64 : i32
        %eq3A_910 = arith.constant 0 : i32
        %eq3A_911 = arith.cmpi eq, %jit3A_909, %eq3A_910 : i32
        %jit3A_912 = arith.constant 1 : i32
        %select_n3A_913 = arith.select %eq3A_911, %jit3A_912, %jit3A_909 : i32
        %rem3A_914 = arith.remsi %sub3A_884, %select_n3A_913 : i32
        %ne3A_915 = arith.constant 0 : i32
        %ne3A_916 = arith.cmpi ne, %rem3A_914, %ne3A_915 : i32
        %lt3A_917 = arith.constant 0 : i32
        %lt3A_918 = arith.cmpi slt, %rem3A_914, %lt3A_917 : i32
        %lt3A_919 = arith.constant 0 : i32
        %lt3A_920 = arith.cmpi slt, %select_n3A_913, %lt3A_919 : i32
        %ne3A_921 = arith.xori %lt3A_918, %lt3A_920 : i1
        %and3A_922 = arith.andi %ne3A_921, %ne3A_916 : i1
        %add3A_923 = arith.addi %rem3A_914, %select_n3A_913 : i32
        %select_n3A_924 = arith.select %and3A_922, %add3A_923, %rem3A_914 : i32
        %mul3A_925 = arith.constant 8 : i32
        %mul3A_926 = arith.muli %select_n3A_908, %mul3A_925 : i32
        %mul3A_927 = arith.constant 256 : i32
        %mul3A_928 = arith.muli %select_n3A_924, %mul3A_927 : i32
        %dma_start3A_929 = arith.constant 1 : i32
        %dma_start3A_930 = arith.constant 0 : i32
        %dma_start3A_931 = arith.constant 0 : i32
        %dma_start3A_932 = tpu.memref_slice %arg6[%dma_start3A_929, %dma_start3A_930, %dma_start3A_931] : memref<4x8x256xi32, #tpu.memory_space<vmem>> -> memref<1x8x256xi32, #tpu.memory_space<vmem>>
        %dma_start3A_933 = tpu.memref_squeeze %dma_start3A_932 : memref<1x8x256xi32, #tpu.memory_space<vmem>> -> memref<8x256xi32, #tpu.memory_space<vmem>>
        %dma_start3A_934 = tpu.memref_slice %arg2[%mul3A_926, %mul3A_928] : memref<200x16384xi32, #tpu.memory_space<hbm>> -> memref<8x256xi32, #tpu.memory_space<hbm>>
        %dma_start3A_935 = arith.constant 0 : i32
        %dma_start3A_936 = arith.constant 0 : i32
        %dma_start3A_937 = tpu.memref_slice %arg6[%dma_start3A_929, %dma_start3A_935, %dma_start3A_936] : memref<4x8x256xi32, #tpu.memory_space<vmem>> -> memref<1x8x256xi32, #tpu.memory_space<vmem>>
        %dma_start3A_938 = tpu.memref_squeeze %dma_start3A_937 : memref<1x8x256xi32, #tpu.memory_space<vmem>> -> memref<8x256xi32, #tpu.memory_space<vmem>>
        %dma_start3A_939 = tpu.memref_slice %arg2[%mul3A_926, %mul3A_928] : memref<200x16384xi32, #tpu.memory_space<hbm>> -> memref<8x256xi32, #tpu.memory_space<hbm>>
        tpu.enqueue_dma source(%dma_start3A_939 : memref<8x256xi32, #tpu.memory_space<hbm>>) target(%dma_start3A_938 : memref<8x256xi32, #tpu.memory_space<vmem>>) target_semaphore(%arg10 : memref<!tpu.dma_semaphore, #tpu.memory_space<semaphore_mem>>)
      } else {
      }
      %ge3A_577 = arith.constant 4 : i32
      %ge3A_578 = arith.cmpi sge, %add3A_512, %ge3A_577 : i32
      %convert_element_type3A_579 = arith.extui %ge3A_578 : i1 to i32
      %cond3A_580 = arith.constant 0 : i32
      %cond3A_581 = arith.cmpi ne, %convert_element_type3A_579, %cond3A_580 : i32
      scf.if %cond3A_581 {
        %dma_wait3A_881 = arith.constant 2 : i32
        %dma_wait3A_882 = arith.constant 2 : i32
        %dma_wait3A_883 = arith.constant 0 : i32
        %dma_wait3A_884 = arith.constant 0 : i32
        %dma_wait3A_885 = tpu.memref_slice %arg7[%dma_wait3A_881, %dma_wait3A_883, %dma_wait3A_884] : memref<4x16x128xf32, #tpu.memory_space<vmem>> -> memref<1x16x128xf32, #tpu.memory_space<vmem>>
        %dma_wait3A_886 = tpu.memref_squeeze %dma_wait3A_885 : memref<1x16x128xf32, #tpu.memory_space<vmem>> -> memref<16x128xf32, #tpu.memory_space<vmem>>
        %dma_wait3A_887 = arith.constant 0 : i32
        %dma_wait3A_888 = tpu.memref_slice %arg8[%dma_wait3A_882, %dma_wait3A_887] : memref<4x16xi32, #tpu.memory_space<vmem>> -> memref<1x16xi32, #tpu.memory_space<vmem>>
        %dma_wait3A_889 = tpu.memref_squeeze %dma_wait3A_888 : memref<1x16xi32, #tpu.memory_space<vmem>> -> memref<16xi32, #tpu.memory_space<vmem>>
        %dma_wait3A_890 = arith.constant 0 : i32
        %dma_wait3A_891 = arith.constant 0 : i32
        %dma_wait3A_892 = tpu.memref_slice %arg4[%dma_wait3A_890, %dma_wait3A_891] : memref<819200x128xf32, #tpu.memory_space<hbm>> -> memref<819200x128xf32, #tpu.memory_space<hbm>>
        tpu.wait_indirect_dma semaphore(%arg11 : memref<!tpu.dma_semaphore, #tpu.memory_space<semaphore_mem>>) src(%dma_wait3A_886 : memref<16x128xf32, #tpu.memory_space<vmem>>) dst(%dma_wait3A_892 : memref<819200x128xf32, #tpu.memory_space<hbm>>)
      } else {
      }
      %iota3A_582 = tpu.iota {dimensions = array<i32: 0>} : vector<16xi32>
      %jit3A_583 = arith.constant 64 : i32
      %div3A_584 = arith.divsi %add3A_512, %jit3A_583 : i32
      %sign3A_585 = arith.constant 0 : i32
      %sign3A_586 = arith.cmpi sgt, %add3A_512, %sign3A_585 : i32
      %sign3A_587 = arith.extui %sign3A_586 : i1 to i32
      %sign3A_588 = arith.constant 0 : i32
      %sign3A_589 = arith.cmpi slt, %add3A_512, %sign3A_588 : i32
      %sign3A_590 = arith.extui %sign3A_589 : i1 to i32
      %sign3A_591 = arith.subi %sign3A_587, %sign3A_590 : i32
      %sign3A_592 = arith.constant 0 : i32
      %sign3A_593 = arith.cmpi sgt, %jit3A_583, %sign3A_592 : i32
      %sign3A_594 = arith.extui %sign3A_593 : i1 to i32
      %sign3A_595 = arith.constant 0 : i32
      %sign3A_596 = arith.cmpi slt, %jit3A_583, %sign3A_595 : i32
      %sign3A_597 = arith.extui %sign3A_596 : i1 to i32
      %sign3A_598 = arith.subi %sign3A_594, %sign3A_597 : i32
      %ne3A_599 = arith.cmpi ne, %sign3A_591, %sign3A_598 : i32
      %rem3A_600 = arith.remsi %add3A_512, %jit3A_583 : i32
      %ne3A_601 = arith.constant 0 : i32
      %ne3A_602 = arith.cmpi ne, %rem3A_600, %ne3A_601 : i32
      %and3A_603 = arith.andi %ne3A_599, %ne3A_602 : i1
      %sub3A_604 = arith.constant 1 : i32
      %sub3A_605 = arith.subi %div3A_584, %sub3A_604 : i32
      %select_n3A_606 = arith.select %and3A_603, %sub3A_605, %div3A_584 : i32
      %jit3A_607 = arith.constant 64 : i32
      %eq3A_608 = arith.constant 0 : i32
      %eq3A_609 = arith.cmpi eq, %jit3A_607, %eq3A_608 : i32
      %jit3A_610 = arith.constant 1 : i32
      %select_n3A_611 = arith.select %eq3A_609, %jit3A_610, %jit3A_607 : i32
      %rem3A_612 = arith.remsi %add3A_512, %select_n3A_611 : i32
      %ne3A_613 = arith.constant 0 : i32
      %ne3A_614 = arith.cmpi ne, %rem3A_612, %ne3A_613 : i32
      %lt3A_615 = arith.constant 0 : i32
      %lt3A_616 = arith.cmpi slt, %rem3A_612, %lt3A_615 : i32
      %lt3A_617 = arith.constant 0 : i32
      %lt3A_618 = arith.cmpi slt, %select_n3A_611, %lt3A_617 : i32
      %ne3A_619 = arith.xori %lt3A_616, %lt3A_618 : i1
      %and3A_620 = arith.andi %ne3A_619, %ne3A_614 : i1
      %add3A_621 = arith.addi %rem3A_612, %select_n3A_611 : i32
      %select_n3A_622 = arith.select %and3A_620, %add3A_621, %rem3A_612 : i32
      %mul3A_623 = arith.constant 8 : i32
      %mul3A_624 = arith.muli %select_n3A_606, %mul3A_623 : i32
      %mul3A_625 = arith.constant 4096 : i32
      %mul3A_626 = arith.muli %mul3A_624, %mul3A_625 : i32
      %mul3A_627 = arith.constant 2 : i32
      %mul3A_628 = arith.muli %select_n3A_622, %mul3A_627 : i32
      %mul3A_629 = arith.constant 8 : i32
      %mul3A_630 = arith.muli %mul3A_628, %mul3A_629 : i32
      %add3A_631 = arith.addi %mul3A_626, %mul3A_630 : i32
      %add3A_632 = arith.addi %add3A_631, %add3A_33 : i32
      %jit3A_633 = arith.constant 2 : i32
      %div3A_634 = vector.broadcast %jit3A_633 : i32 to vector<16xi32>
      %div3A_635 = arith.divsi %iota3A_582, %div3A_634 : vector<16xi32>
      %sign3A_636 = arith.constant 0 : i32
      %sign3A_637 = vector.broadcast %sign3A_636 : i32 to vector<16xi32>
      %sign3A_638 = arith.cmpi sgt, %iota3A_582, %sign3A_637 : vector<16xi32>
      %sign3A_639 = arith.extui %sign3A_638 : vector<16xi1> to vector<16xi32>
      %sign3A_640 = arith.constant 0 : i32
      %sign3A_641 = vector.broadcast %sign3A_640 : i32 to vector<16xi32>
      %sign3A_642 = arith.cmpi slt, %iota3A_582, %sign3A_641 : vector<16xi32>
      %sign3A_643 = arith.extui %sign3A_642 : vector<16xi1> to vector<16xi32>
      %sign3A_644 = arith.subi %sign3A_639, %sign3A_643 : vector<16xi32>
      %sign3A_645 = arith.constant 0 : i32
      %sign3A_646 = arith.cmpi sgt, %jit3A_633, %sign3A_645 : i32
      %sign3A_647 = arith.extui %sign3A_646 : i1 to i32
      %sign3A_648 = arith.constant 0 : i32
      %sign3A_649 = arith.cmpi slt, %jit3A_633, %sign3A_648 : i32
      %sign3A_650 = arith.extui %sign3A_649 : i1 to i32
      %sign3A_651 = arith.subi %sign3A_647, %sign3A_650 : i32
      %ne3A_652 = vector.broadcast %sign3A_651 : i32 to vector<16xi32>
      %ne3A_653 = arith.cmpi ne, %sign3A_644, %ne3A_652 : vector<16xi32>
      %rem3A_654 = vector.broadcast %jit3A_633 : i32 to vector<16xi32>
      %rem3A_655 = arith.remsi %iota3A_582, %rem3A_654 : vector<16xi32>
      %ne3A_656 = arith.constant 0 : i32
      %ne3A_657 = vector.broadcast %ne3A_656 : i32 to vector<16xi32>
      %ne3A_658 = arith.cmpi ne, %rem3A_655, %ne3A_657 : vector<16xi32>
      %and3A_659 = arith.andi %ne3A_653, %ne3A_658 : vector<16xi1>
      %sub3A_660 = arith.constant 1 : i32
      %sub3A_661 = vector.broadcast %sub3A_660 : i32 to vector<16xi32>
      %sub3A_662 = arith.subi %div3A_635, %sub3A_661 : vector<16xi32>
      %select_n3A_663 = arith.select %and3A_659, %sub3A_662, %div3A_635 : vector<16xi1>, vector<16xi32>
      %mul3A_664 = arith.constant 4096 : i32
      %mul3A_665 = vector.broadcast %mul3A_664 : i32 to vector<16xi32>
      %mul3A_666 = arith.muli %select_n3A_663, %mul3A_665 : vector<16xi32>
      %add3A_667 = vector.broadcast %add3A_632 : i32 to vector<16xi32>
      %add3A_668 = arith.addi %add3A_667, %mul3A_666 : vector<16xi32>
      %rem3A_669 = arith.constant 2 : i32
      %rem3A_670 = vector.broadcast %rem3A_669 : i32 to vector<16xi32>
      %rem3A_671 = arith.remsi %iota3A_582, %rem3A_670 : vector<16xi32>
      %mul3A_672 = arith.constant 8 : i32
      %mul3A_673 = vector.broadcast %mul3A_672 : i32 to vector<16xi32>
      %mul3A_674 = arith.muli %rem3A_671, %mul3A_673 : vector<16xi32>
      %add3A_675 = arith.addi %add3A_668, %mul3A_674 : vector<16xi32>
      %swap3A_676 = arith.constant 2 : i32
      %swap3A_677 = arith.index_cast %swap3A_676 : i32 to index
      %swap3A_678 = arith.constant 0 : index
      %swap3A_679 = tpu.vector_load %arg8[%swap3A_677, %swap3A_678] {strides = array<i32>} : memref<4x16xi32, #tpu.memory_space<vmem>>, vector<16xi32>,
      tpu.vector_store %arg8[%swap3A_677, %swap3A_678], %add3A_675 {strides = array<i32>} : memref<4x16xi32, #tpu.memory_space<vmem>>, vector<16xi32>,
      %parallel_loop3A_680 = arith.constant 0 : i32
      %parallel_loop3A_681 = arith.constant 2048 : i32
      %parallel_loop3A_682 = arith.constant 16 : i32
      scf.for %parallel_loop3A_881 = %parallel_loop3A_680 to %parallel_loop3A_681 step %parallel_loop3A_682  : i32 {
        %parallel_loop3A_882 = arith.constant 256 : i32
        %parallel_loop3A_883 = arith.divsi %parallel_loop3A_881, %parallel_loop3A_882 : i32
        %parallel_loop3A_884 = arith.constant 0 : i32
        %parallel_loop3A_885 = arith.cmpi sgt, %parallel_loop3A_881, %parallel_loop3A_884 : i32
        %parallel_loop3A_886 = arith.extui %parallel_loop3A_885 : i1 to i32
        %parallel_loop3A_887 = arith.constant 0 : i32
        %parallel_loop3A_888 = arith.cmpi slt, %parallel_loop3A_881, %parallel_loop3A_887 : i32
        %parallel_loop3A_889 = arith.extui %parallel_loop3A_888 : i1 to i32
        %parallel_loop3A_890 = arith.subi %parallel_loop3A_886, %parallel_loop3A_889 : i32
        %parallel_loop3A_891 = arith.constant 0 : i32
        %parallel_loop3A_892 = arith.cmpi sgt, %parallel_loop3A_882, %parallel_loop3A_891 : i32
        %parallel_loop3A_893 = arith.extui %parallel_loop3A_892 : i1 to i32
        %parallel_loop3A_894 = arith.constant 0 : i32
        %parallel_loop3A_895 = arith.cmpi slt, %parallel_loop3A_882, %parallel_loop3A_894 : i32
        %parallel_loop3A_896 = arith.extui %parallel_loop3A_895 : i1 to i32
        %parallel_loop3A_897 = arith.subi %parallel_loop3A_893, %parallel_loop3A_896 : i32
        %parallel_loop3A_898 = arith.cmpi ne, %parallel_loop3A_890, %parallel_loop3A_897 : i32
        %parallel_loop3A_899 = arith.remsi %parallel_loop3A_881, %parallel_loop3A_882 : i32
        %parallel_loop3A_900 = arith.constant 0 : i32
        %parallel_loop3A_901 = arith.cmpi ne, %parallel_loop3A_899, %parallel_loop3A_900 : i32
        %parallel_loop3A_902 = arith.andi %parallel_loop3A_898, %parallel_loop3A_901 : i1
        %parallel_loop3A_903 = arith.constant 1 : i32
        %parallel_loop3A_904 = arith.subi %parallel_loop3A_883, %parallel_loop3A_903 : i32
        %parallel_loop3A_905 = arith.select %parallel_loop3A_902, %parallel_loop3A_904, %parallel_loop3A_883 : i32
        %parallel_loop3A_906 = arith.constant 256 : i32
        %parallel_loop3A_907 = arith.remsi %parallel_loop3A_881, %parallel_loop3A_906 : i32
        %parallel_loop3A_908 = arith.constant 2 : i32
        %parallel_loop3A_909 = arith.index_cast %parallel_loop3A_908 : i32 to index
        %parallel_loop3A_910 = arith.index_cast %parallel_loop3A_905 : i32 to index
        %parallel_loop3A_911 = arith.index_cast %parallel_loop3A_907 : i32 to index
        %parallel_loop3A_912 = tpu.vector_load %arg6[%parallel_loop3A_909, %parallel_loop3A_910, %parallel_loop3A_911] {strides = array<i32>} : memref<4x8x256xi32, #tpu.memory_space<vmem>>, vector<16xi32>,
        %parallel_loop3A_913 = tpu.vector_load_idx %arg5[%parallel_loop3A_912] : memref<100000xf32, #tpu.memory_space<vmem>>[vector<16xi32>], vector<16xf32>,
        %parallel_loop3A_914 = arith.constant 128 : i32
        %parallel_loop3A_915 = arith.divsi %parallel_loop3A_881, %parallel_loop3A_914 : i32
        %parallel_loop3A_916 = arith.constant 0 : i32
        %parallel_loop3A_917 = arith.cmpi sgt, %parallel_loop3A_881, %parallel_loop3A_916 : i32
        %parallel_loop3A_918 = arith.extui %parallel_loop3A_917 : i1 to i32
        %parallel_loop3A_919 = arith.constant 0 : i32
        %parallel_loop3A_920 = arith.cmpi slt, %parallel_loop3A_881, %parallel_loop3A_919 : i32
        %parallel_loop3A_921 = arith.extui %parallel_loop3A_920 : i1 to i32
        %parallel_loop3A_922 = arith.subi %parallel_loop3A_918, %parallel_loop3A_921 : i32
        %parallel_loop3A_923 = arith.constant 0 : i32
        %parallel_loop3A_924 = arith.cmpi sgt, %parallel_loop3A_914, %parallel_loop3A_923 : i32
        %parallel_loop3A_925 = arith.extui %parallel_loop3A_924 : i1 to i32
        %parallel_loop3A_926 = arith.constant 0 : i32
        %parallel_loop3A_927 = arith.cmpi slt, %parallel_loop3A_914, %parallel_loop3A_926 : i32
        %parallel_loop3A_928 = arith.extui %parallel_loop3A_927 : i1 to i32
        %parallel_loop3A_929 = arith.subi %parallel_loop3A_925, %parallel_loop3A_928 : i32
        %parallel_loop3A_930 = arith.cmpi ne, %parallel_loop3A_922, %parallel_loop3A_929 : i32
        %parallel_loop3A_931 = arith.remsi %parallel_loop3A_881, %parallel_loop3A_914 : i32
        %parallel_loop3A_932 = arith.constant 0 : i32
        %parallel_loop3A_933 = arith.cmpi ne, %parallel_loop3A_931, %parallel_loop3A_932 : i32
        %parallel_loop3A_934 = arith.andi %parallel_loop3A_930, %parallel_loop3A_933 : i1
        %parallel_loop3A_935 = arith.constant 1 : i32
        %parallel_loop3A_936 = arith.subi %parallel_loop3A_915, %parallel_loop3A_935 : i32
        %parallel_loop3A_937 = arith.select %parallel_loop3A_934, %parallel_loop3A_936, %parallel_loop3A_915 : i32
        %parallel_loop3A_938 = arith.constant 128 : i32
        %parallel_loop3A_939 = arith.remsi %parallel_loop3A_881, %parallel_loop3A_938 : i32
        %parallel_loop3A_940 = arith.constant 2 : i32
        %parallel_loop3A_941 = arith.index_cast %parallel_loop3A_940 : i32 to index
        %parallel_loop3A_942 = arith.index_cast %parallel_loop3A_937 : i32 to index
        %parallel_loop3A_943 = arith.index_cast %parallel_loop3A_939 : i32 to index
        %parallel_loop3A_944 = tpu.vector_load %arg7[%parallel_loop3A_941, %parallel_loop3A_942, %parallel_loop3A_943] {strides = array<i32>} : memref<4x16x128xf32, #tpu.memory_space<vmem>>, vector<16xf32>,
        tpu.vector_store %arg7[%parallel_loop3A_941, %parallel_loop3A_942, %parallel_loop3A_943], %parallel_loop3A_913 {strides = array<i32>} : memref<4x16x128xf32, #tpu.memory_space<vmem>>, vector<16xf32>,
      } {sc.loop_unroll_factor = 8 : i64, sc.parallel_access}
      %dma_start3A_683 = arith.constant 2 : i32
      %dma_start3A_684 = arith.constant 2 : i32
      %dma_start3A_685 = arith.constant 0 : i32
      %dma_start3A_686 = arith.constant 0 : i32
      %dma_start3A_687 = tpu.memref_slice %arg7[%dma_start3A_683, %dma_start3A_685, %dma_start3A_686] : memref<4x16x128xf32, #tpu.memory_space<vmem>> -> memref<1x16x128xf32, #tpu.memory_space<vmem>>
      %dma_start3A_688 = tpu.memref_squeeze %dma_start3A_687 : memref<1x16x128xf32, #tpu.memory_space<vmem>> -> memref<16x128xf32, #tpu.memory_space<vmem>>
      %dma_start3A_689 = arith.constant 0 : i32
      %dma_start3A_690 = tpu.memref_slice %arg8[%dma_start3A_684, %dma_start3A_689] : memref<4x16xi32, #tpu.memory_space<vmem>> -> memref<1x16xi32, #tpu.memory_space<vmem>>
      %dma_start3A_691 = tpu.memref_squeeze %dma_start3A_690 : memref<1x16xi32, #tpu.memory_space<vmem>> -> memref<16xi32, #tpu.memory_space<vmem>>
      %dma_start3A_692 = arith.constant 0 : i32
      %dma_start3A_693 = arith.constant 0 : i32
      %dma_start3A_694 = tpu.memref_slice %arg4[%dma_start3A_692, %dma_start3A_693] : memref<819200x128xf32, #tpu.memory_space<hbm>> -> memref<819200x128xf32, #tpu.memory_space<hbm>>
      tpu.enqueue_indirect_dma source(%dma_start3A_688 : memref<16x128xf32, #tpu.memory_space<vmem>>) target(%dma_start3A_694 : memref<819200x128xf32, #tpu.memory_space<hbm>>) offsets(%dma_start3A_691 : memref<16xi32, #tpu.memory_space<vmem>>) semaphore(%arg11 : memref<!tpu.dma_semaphore, #tpu.memory_space<semaphore_mem>>)
      %mul3A_695 = arith.constant 4 : i32
      %mul3A_696 = arith.muli %mul3A_695, %scan3A_142 : i32
      %add3A_697 = arith.constant 3 : i32
      %add3A_698 = arith.addi %mul3A_696, %add3A_697 : i32
      %jit3A_699 = arith.constant 64 : i32
      %div3A_700 = arith.divsi %add3A_698, %jit3A_699 : i32
      %sign3A_701 = arith.constant 0 : i32
      %sign3A_702 = arith.cmpi sgt, %add3A_698, %sign3A_701 : i32
      %sign3A_703 = arith.extui %sign3A_702 : i1 to i32
      %sign3A_704 = arith.constant 0 : i32
      %sign3A_705 = arith.cmpi slt, %add3A_698, %sign3A_704 : i32
      %sign3A_706 = arith.extui %sign3A_705 : i1 to i32
      %sign3A_707 = arith.subi %sign3A_703, %sign3A_706 : i32
      %sign3A_708 = arith.constant 0 : i32
      %sign3A_709 = arith.cmpi sgt, %jit3A_699, %sign3A_708 : i32
      %sign3A_710 = arith.extui %sign3A_709 : i1 to i32
      %sign3A_711 = arith.constant 0 : i32
      %sign3A_712 = arith.cmpi slt, %jit3A_699, %sign3A_711 : i32
      %sign3A_713 = arith.extui %sign3A_712 : i1 to i32
      %sign3A_714 = arith.subi %sign3A_710, %sign3A_713 : i32
      %ne3A_715 = arith.cmpi ne, %sign3A_707, %sign3A_714 : i32
      %rem3A_716 = arith.remsi %add3A_698, %jit3A_699 : i32
      %ne3A_717 = arith.constant 0 : i32
      %ne3A_718 = arith.cmpi ne, %rem3A_716, %ne3A_717 : i32
      %and3A_719 = arith.andi %ne3A_715, %ne3A_718 : i1
      %sub3A_720 = arith.constant 1 : i32
      %sub3A_721 = arith.subi %div3A_700, %sub3A_720 : i32
      %select_n3A_722 = arith.select %and3A_719, %sub3A_721, %div3A_700 : i32
      %jit3A_723 = arith.constant 64 : i32
      %eq3A_724 = arith.constant 0 : i32
      %eq3A_725 = arith.cmpi eq, %jit3A_723, %eq3A_724 : i32
      %jit3A_726 = arith.constant 1 : i32
      %select_n3A_727 = arith.select %eq3A_725, %jit3A_726, %jit3A_723 : i32
      %rem3A_728 = arith.remsi %add3A_698, %select_n3A_727 : i32
      %ne3A_729 = arith.constant 0 : i32
      %ne3A_730 = arith.cmpi ne, %rem3A_728, %ne3A_729 : i32
      %lt3A_731 = arith.constant 0 : i32
      %lt3A_732 = arith.cmpi slt, %rem3A_728, %lt3A_731 : i32
      %lt3A_733 = arith.constant 0 : i32
      %lt3A_734 = arith.cmpi slt, %select_n3A_727, %lt3A_733 : i32
      %ne3A_735 = arith.xori %lt3A_732, %lt3A_734 : i1
      %and3A_736 = arith.andi %ne3A_735, %ne3A_730 : i1
      %add3A_737 = arith.addi %rem3A_728, %select_n3A_727 : i32
      %select_n3A_738 = arith.select %and3A_736, %add3A_737, %rem3A_728 : i32
      %mul3A_739 = arith.constant 8 : i32
      %mul3A_740 = arith.muli %select_n3A_722, %mul3A_739 : i32
      %mul3A_741 = arith.constant 256 : i32
      %mul3A_742 = arith.muli %select_n3A_738, %mul3A_741 : i32
      %dma_wait3A_743 = arith.constant 3 : i32
      %dma_wait3A_744 = arith.constant 0 : i32
      %dma_wait3A_745 = arith.constant 0 : i32
      %dma_wait3A_746 = tpu.memref_slice %arg6[%dma_wait3A_743, %dma_wait3A_744, %dma_wait3A_745] : memref<4x8x256xi32, #tpu.memory_space<vmem>> -> memref<1x8x256xi32, #tpu.memory_space<vmem>>
      %dma_wait3A_747 = tpu.memref_squeeze %dma_wait3A_746 : memref<1x8x256xi32, #tpu.memory_space<vmem>> -> memref<8x256xi32, #tpu.memory_space<vmem>>
      %dma_wait3A_748 = tpu.memref_slice %arg2[%mul3A_740, %mul3A_742] : memref<200x16384xi32, #tpu.memory_space<hbm>> -> memref<8x256xi32, #tpu.memory_space<hbm>>
      %dma_wait3A_749 = arith.constant 0 : i32
      %dma_wait3A_750 = arith.constant 0 : i32
      %dma_wait3A_751 = tpu.memref_slice %arg6[%dma_wait3A_743, %dma_wait3A_749, %dma_wait3A_750] : memref<4x8x256xi32, #tpu.memory_space<vmem>> -> memref<1x8x256xi32, #tpu.memory_space<vmem>>
      %dma_wait3A_752 = tpu.memref_squeeze %dma_wait3A_751 : memref<1x8x256xi32, #tpu.memory_space<vmem>> -> memref<8x256xi32, #tpu.memory_space<vmem>>
      %dma_wait3A_753 = tpu.memref_slice %arg2[%mul3A_740, %mul3A_742] : memref<200x16384xi32, #tpu.memory_space<hbm>> -> memref<8x256xi32, #tpu.memory_space<hbm>>
      tpu.wait_dma2 semaphore(%arg10 : memref<!tpu.dma_semaphore, #tpu.memory_space<semaphore_mem>>) src(%dma_wait3A_753 : memref<8x256xi32, #tpu.memory_space<hbm>>) dst(%dma_wait3A_752 : memref<8x256xi32, #tpu.memory_space<vmem>>)
      %add3A_754 = arith.constant 4 : i32
      %add3A_755 = arith.addi %add3A_698, %add3A_754 : i32
      %sub3A_756 = arith.constant 1 : i32
      %sub3A_757 = arith.subi %add3A_755, %sub3A_756 : i32
      %lt3A_758 = arith.constant 1600 : i32
      %lt3A_759 = arith.cmpi slt, %sub3A_757, %lt3A_758 : i32
      %convert_element_type3A_760 = arith.extui %lt3A_759 : i1 to i32
      %cond3A_761 = arith.constant 0 : i32
      %cond3A_762 = arith.cmpi ne, %convert_element_type3A_760, %cond3A_761 : i32
      scf.if %cond3A_762 {
        %add3A_881 = arith.constant 4 : i32
        %add3A_882 = arith.addi %add3A_698, %add3A_881 : i32
        %sub3A_883 = arith.constant 1 : i32
        %sub3A_884 = arith.subi %add3A_882, %sub3A_883 : i32
        %jit3A_885 = arith.constant 64 : i32
        %div3A_886 = arith.divsi %sub3A_884, %jit3A_885 : i32
        %sign3A_887 = arith.constant 0 : i32
        %sign3A_888 = arith.cmpi sgt, %sub3A_884, %sign3A_887 : i32
        %sign3A_889 = arith.extui %sign3A_888 : i1 to i32
        %sign3A_890 = arith.constant 0 : i32
        %sign3A_891 = arith.cmpi slt, %sub3A_884, %sign3A_890 : i32
        %sign3A_892 = arith.extui %sign3A_891 : i1 to i32
        %sign3A_893 = arith.subi %sign3A_889, %sign3A_892 : i32
        %sign3A_894 = arith.constant 0 : i32
        %sign3A_895 = arith.cmpi sgt, %jit3A_885, %sign3A_894 : i32
        %sign3A_896 = arith.extui %sign3A_895 : i1 to i32
        %sign3A_897 = arith.constant 0 : i32
        %sign3A_898 = arith.cmpi slt, %jit3A_885, %sign3A_897 : i32
        %sign3A_899 = arith.extui %sign3A_898 : i1 to i32
        %sign3A_900 = arith.subi %sign3A_896, %sign3A_899 : i32
        %ne3A_901 = arith.cmpi ne, %sign3A_893, %sign3A_900 : i32
        %rem3A_902 = arith.remsi %sub3A_884, %jit3A_885 : i32
        %ne3A_903 = arith.constant 0 : i32
        %ne3A_904 = arith.cmpi ne, %rem3A_902, %ne3A_903 : i32
        %and3A_905 = arith.andi %ne3A_901, %ne3A_904 : i1
        %sub3A_906 = arith.constant 1 : i32
        %sub3A_907 = arith.subi %div3A_886, %sub3A_906 : i32
        %select_n3A_908 = arith.select %and3A_905, %sub3A_907, %div3A_886 : i32
        %jit3A_909 = arith.constant 64 : i32
        %eq3A_910 = arith.constant 0 : i32
        %eq3A_911 = arith.cmpi eq, %jit3A_909, %eq3A_910 : i32
        %jit3A_912 = arith.constant 1 : i32
        %select_n3A_913 = arith.select %eq3A_911, %jit3A_912, %jit3A_909 : i32
        %rem3A_914 = arith.remsi %sub3A_884, %select_n3A_913 : i32
        %ne3A_915 = arith.constant 0 : i32
        %ne3A_916 = arith.cmpi ne, %rem3A_914, %ne3A_915 : i32
        %lt3A_917 = arith.constant 0 : i32
        %lt3A_918 = arith.cmpi slt, %rem3A_914, %lt3A_917 : i32
        %lt3A_919 = arith.constant 0 : i32
        %lt3A_920 = arith.cmpi slt, %select_n3A_913, %lt3A_919 : i32
        %ne3A_921 = arith.xori %lt3A_918, %lt3A_920 : i1
        %and3A_922 = arith.andi %ne3A_921, %ne3A_916 : i1
        %add3A_923 = arith.addi %rem3A_914, %select_n3A_913 : i32
        %select_n3A_924 = arith.select %and3A_922, %add3A_923, %rem3A_914 : i32
        %mul3A_925 = arith.constant 8 : i32
        %mul3A_926 = arith.muli %select_n3A_908, %mul3A_925 : i32
        %mul3A_927 = arith.constant 256 : i32
        %mul3A_928 = arith.muli %select_n3A_924, %mul3A_927 : i32
        %dma_start3A_929 = arith.constant 2 : i32
        %dma_start3A_930 = arith.constant 0 : i32
        %dma_start3A_931 = arith.constant 0 : i32
        %dma_start3A_932 = tpu.memref_slice %arg6[%dma_start3A_929, %dma_start3A_930, %dma_start3A_931] : memref<4x8x256xi32, #tpu.memory_space<vmem>> -> memref<1x8x256xi32, #tpu.memory_space<vmem>>
        %dma_start3A_933 = tpu.memref_squeeze %dma_start3A_932 : memref<1x8x256xi32, #tpu.memory_space<vmem>> -> memref<8x256xi32, #tpu.memory_space<vmem>>
        %dma_start3A_934 = tpu.memref_slice %arg2[%mul3A_926, %mul3A_928] : memref<200x16384xi32, #tpu.memory_space<hbm>> -> memref<8x256xi32, #tpu.memory_space<hbm>>
        %dma_start3A_935 = arith.constant 0 : i32
        %dma_start3A_936 = arith.constant 0 : i32
        %dma_start3A_937 = tpu.memref_slice %arg6[%dma_start3A_929, %dma_start3A_935, %dma_start3A_936] : memref<4x8x256xi32, #tpu.memory_space<vmem>> -> memref<1x8x256xi32, #tpu.memory_space<vmem>>
        %dma_start3A_938 = tpu.memref_squeeze %dma_start3A_937 : memref<1x8x256xi32, #tpu.memory_space<vmem>> -> memref<8x256xi32, #tpu.memory_space<vmem>>
        %dma_start3A_939 = tpu.memref_slice %arg2[%mul3A_926, %mul3A_928] : memref<200x16384xi32, #tpu.memory_space<hbm>> -> memref<8x256xi32, #tpu.memory_space<hbm>>
        tpu.enqueue_dma source(%dma_start3A_939 : memref<8x256xi32, #tpu.memory_space<hbm>>) target(%dma_start3A_938 : memref<8x256xi32, #tpu.memory_space<vmem>>) target_semaphore(%arg10 : memref<!tpu.dma_semaphore, #tpu.memory_space<semaphore_mem>>)
      } else {
      }
      %ge3A_763 = arith.constant 4 : i32
      %ge3A_764 = arith.cmpi sge, %add3A_698, %ge3A_763 : i32
      %convert_element_type3A_765 = arith.extui %ge3A_764 : i1 to i32
      %cond3A_766 = arith.constant 0 : i32
      %cond3A_767 = arith.cmpi ne, %convert_element_type3A_765, %cond3A_766 : i32
      scf.if %cond3A_767 {
        %dma_wait3A_881 = arith.constant 3 : i32
        %dma_wait3A_882 = arith.constant 3 : i32
        %dma_wait3A_883 = arith.constant 0 : i32
        %dma_wait3A_884 = arith.constant 0 : i32
        %dma_wait3A_885 = tpu.memref_slice %arg7[%dma_wait3A_881, %dma_wait3A_883, %dma_wait3A_884] : memref<4x16x128xf32, #tpu.memory_space<vmem>> -> memref<1x16x128xf32, #tpu.memory_space<vmem>>
        %dma_wait3A_886 = tpu.memref_squeeze %dma_wait3A_885 : memref<1x16x128xf32, #tpu.memory_space<vmem>> -> memref<16x128xf32, #tpu.memory_space<vmem>>
        %dma_wait3A_887 = arith.constant 0 : i32
        %dma_wait3A_888 = tpu.memref_slice %arg8[%dma_wait3A_882, %dma_wait3A_887] : memref<4x16xi32, #tpu.memory_space<vmem>> -> memref<1x16xi32, #tpu.memory_space<vmem>>
        %dma_wait3A_889 = tpu.memref_squeeze %dma_wait3A_888 : memref<1x16xi32, #tpu.memory_space<vmem>> -> memref<16xi32, #tpu.memory_space<vmem>>
        %dma_wait3A_890 = arith.constant 0 : i32
        %dma_wait3A_891 = arith.constant 0 : i32
        %dma_wait3A_892 = tpu.memref_slice %arg4[%dma_wait3A_890, %dma_wait3A_891] : memref<819200x128xf32, #tpu.memory_space<hbm>> -> memref<819200x128xf32, #tpu.memory_space<hbm>>
        tpu.wait_indirect_dma semaphore(%arg11 : memref<!tpu.dma_semaphore, #tpu.memory_space<semaphore_mem>>) src(%dma_wait3A_886 : memref<16x128xf32, #tpu.memory_space<vmem>>) dst(%dma_wait3A_892 : memref<819200x128xf32, #tpu.memory_space<hbm>>)
      } else {
      }
      %iota3A_768 = tpu.iota {dimensions = array<i32: 0>} : vector<16xi32>
      %jit3A_769 = arith.constant 64 : i32
      %div3A_770 = arith.divsi %add3A_698, %jit3A_769 : i32
      %sign3A_771 = arith.constant 0 : i32
      %sign3A_772 = arith.cmpi sgt, %add3A_698, %sign3A_771 : i32
      %sign3A_773 = arith.extui %sign3A_772 : i1 to i32
      %sign3A_774 = arith.constant 0 : i32
      %sign3A_775 = arith.cmpi slt, %add3A_698, %sign3A_774 : i32
      %sign3A_776 = arith.extui %sign3A_775 : i1 to i32
      %sign3A_777 = arith.subi %sign3A_773, %sign3A_776 : i32
      %sign3A_778 = arith.constant 0 : i32
      %sign3A_779 = arith.cmpi sgt, %jit3A_769, %sign3A_778 : i32
      %sign3A_780 = arith.extui %sign3A_779 : i1 to i32
      %sign3A_781 = arith.constant 0 : i32
      %sign3A_782 = arith.cmpi slt, %jit3A_769, %sign3A_781 : i32
      %sign3A_783 = arith.extui %sign3A_782 : i1 to i32
      %sign3A_784 = arith.subi %sign3A_780, %sign3A_783 : i32
      %ne3A_785 = arith.cmpi ne, %sign3A_777, %sign3A_784 : i32
      %rem3A_786 = arith.remsi %add3A_698, %jit3A_769 : i32
      %ne3A_787 = arith.constant 0 : i32
      %ne3A_788 = arith.cmpi ne, %rem3A_786, %ne3A_787 : i32
      %and3A_789 = arith.andi %ne3A_785, %ne3A_788 : i1
      %sub3A_790 = arith.constant 1 : i32
      %sub3A_791 = arith.subi %div3A_770, %sub3A_790 : i32
      %select_n3A_792 = arith.select %and3A_789, %sub3A_791, %div3A_770 : i32
      %jit3A_793 = arith.constant 64 : i32
      %eq3A_794 = arith.constant 0 : i32
      %eq3A_795 = arith.cmpi eq, %jit3A_793, %eq3A_794 : i32
      %jit3A_796 = arith.constant 1 : i32
      %select_n3A_797 = arith.select %eq3A_795, %jit3A_796, %jit3A_793 : i32
      %rem3A_798 = arith.remsi %add3A_698, %select_n3A_797 : i32
      %ne3A_799 = arith.constant 0 : i32
      %ne3A_800 = arith.cmpi ne, %rem3A_798, %ne3A_799 : i32
      %lt3A_801 = arith.constant 0 : i32
      %lt3A_802 = arith.cmpi slt, %rem3A_798, %lt3A_801 : i32
      %lt3A_803 = arith.constant 0 : i32
      %lt3A_804 = arith.cmpi slt, %select_n3A_797, %lt3A_803 : i32
      %ne3A_805 = arith.xori %lt3A_802, %lt3A_804 : i1
      %and3A_806 = arith.andi %ne3A_805, %ne3A_800 : i1
      %add3A_807 = arith.addi %rem3A_798, %select_n3A_797 : i32
      %select_n3A_808 = arith.select %and3A_806, %add3A_807, %rem3A_798 : i32
      %mul3A_809 = arith.constant 8 : i32
      %mul3A_810 = arith.muli %select_n3A_792, %mul3A_809 : i32
      %mul3A_811 = arith.constant 4096 : i32
      %mul3A_812 = arith.muli %mul3A_810, %mul3A_811 : i32
      %mul3A_813 = arith.constant 2 : i32
      %mul3A_814 = arith.muli %select_n3A_808, %mul3A_813 : i32
      %mul3A_815 = arith.constant 8 : i32
      %mul3A_816 = arith.muli %mul3A_814, %mul3A_815 : i32
      %add3A_817 = arith.addi %mul3A_812, %mul3A_816 : i32
      %add3A_818 = arith.addi %add3A_817, %add3A_33 : i32
      %jit3A_819 = arith.constant 2 : i32
      %div3A_820 = vector.broadcast %jit3A_819 : i32 to vector<16xi32>
      %div3A_821 = arith.divsi %iota3A_768, %div3A_820 : vector<16xi32>
      %sign3A_822 = arith.constant 0 : i32
      %sign3A_823 = vector.broadcast %sign3A_822 : i32 to vector<16xi32>
      %sign3A_824 = arith.cmpi sgt, %iota3A_768, %sign3A_823 : vector<16xi32>
      %sign3A_825 = arith.extui %sign3A_824 : vector<16xi1> to vector<16xi32>
      %sign3A_826 = arith.constant 0 : i32
      %sign3A_827 = vector.broadcast %sign3A_826 : i32 to vector<16xi32>
      %sign3A_828 = arith.cmpi slt, %iota3A_768, %sign3A_827 : vector<16xi32>
      %sign3A_829 = arith.extui %sign3A_828 : vector<16xi1> to vector<16xi32>
      %sign3A_830 = arith.subi %sign3A_825, %sign3A_829 : vector<16xi32>
      %sign3A_831 = arith.constant 0 : i32
      %sign3A_832 = arith.cmpi sgt, %jit3A_819, %sign3A_831 : i32
      %sign3A_833 = arith.extui %sign3A_832 : i1 to i32
      %sign3A_834 = arith.constant 0 : i32
      %sign3A_835 = arith.cmpi slt, %jit3A_819, %sign3A_834 : i32
      %sign3A_836 = arith.extui %sign3A_835 : i1 to i32
      %sign3A_837 = arith.subi %sign3A_833, %sign3A_836 : i32
      %ne3A_838 = vector.broadcast %sign3A_837 : i32 to vector<16xi32>
      %ne3A_839 = arith.cmpi ne, %sign3A_830, %ne3A_838 : vector<16xi32>
      %rem3A_840 = vector.broadcast %jit3A_819 : i32 to vector<16xi32>
      %rem3A_841 = arith.remsi %iota3A_768, %rem3A_840 : vector<16xi32>
      %ne3A_842 = arith.constant 0 : i32
      %ne3A_843 = vector.broadcast %ne3A_842 : i32 to vector<16xi32>
      %ne3A_844 = arith.cmpi ne, %rem3A_841, %ne3A_843 : vector<16xi32>
      %and3A_845 = arith.andi %ne3A_839, %ne3A_844 : vector<16xi1>
      %sub3A_846 = arith.constant 1 : i32
      %sub3A_847 = vector.broadcast %sub3A_846 : i32 to vector<16xi32>
      %sub3A_848 = arith.subi %div3A_821, %sub3A_847 : vector<16xi32>
      %select_n3A_849 = arith.select %and3A_845, %sub3A_848, %div3A_821 : vector<16xi1>, vector<16xi32>
      %mul3A_850 = arith.constant 4096 : i32
      %mul3A_851 = vector.broadcast %mul3A_850 : i32 to vector<16xi32>
      %mul3A_852 = arith.muli %select_n3A_849, %mul3A_851 : vector<16xi32>
      %add3A_853 = vector.broadcast %add3A_818 : i32 to vector<16xi32>
      %add3A_854 = arith.addi %add3A_853, %mul3A_852 : vector<16xi32>
      %rem3A_855 = arith.constant 2 : i32
      %rem3A_856 = vector.broadcast %rem3A_855 : i32 to vector<16xi32>
      %rem3A_857 = arith.remsi %iota3A_768, %rem3A_856 : vector<16xi32>
      %mul3A_858 = arith.constant 8 : i32
      %mul3A_859 = vector.broadcast %mul3A_858 : i32 to vector<16xi32>
      %mul3A_860 = arith.muli %rem3A_857, %mul3A_859 : vector<16xi32>
      %add3A_861 = arith.addi %add3A_854, %mul3A_860 : vector<16xi32>
      %swap3A_862 = arith.constant 3 : i32
      %swap3A_863 = arith.index_cast %swap3A_862 : i32 to index
      %swap3A_864 = arith.constant 0 : index
      %swap3A_865 = tpu.vector_load %arg8[%swap3A_863, %swap3A_864] {strides = array<i32>} : memref<4x16xi32, #tpu.memory_space<vmem>>, vector<16xi32>,
      tpu.vector_store %arg8[%swap3A_863, %swap3A_864], %add3A_861 {strides = array<i32>} : memref<4x16xi32, #tpu.memory_space<vmem>>, vector<16xi32>,
      %parallel_loop3A_866 = arith.constant 0 : i32
      %parallel_loop3A_867 = arith.constant 2048 : i32
      %parallel_loop3A_868 = arith.constant 16 : i32
      scf.for %parallel_loop3A_881 = %parallel_loop3A_866 to %parallel_loop3A_867 step %parallel_loop3A_868  : i32 {
        %parallel_loop3A_882 = arith.constant 256 : i32
        %parallel_loop3A_883 = arith.divsi %parallel_loop3A_881, %parallel_loop3A_882 : i32
        %parallel_loop3A_884 = arith.constant 0 : i32
        %parallel_loop3A_885 = arith.cmpi sgt, %parallel_loop3A_881, %parallel_loop3A_884 : i32
        %parallel_loop3A_886 = arith.extui %parallel_loop3A_885 : i1 to i32
        %parallel_loop3A_887 = arith.constant 0 : i32
        %parallel_loop3A_888 = arith.cmpi slt, %parallel_loop3A_881, %parallel_loop3A_887 : i32
        %parallel_loop3A_889 = arith.extui %parallel_loop3A_888 : i1 to i32
        %parallel_loop3A_890 = arith.subi %parallel_loop3A_886, %parallel_loop3A_889 : i32
        %parallel_loop3A_891 = arith.constant 0 : i32
        %parallel_loop3A_892 = arith.cmpi sgt, %parallel_loop3A_882, %parallel_loop3A_891 : i32
        %parallel_loop3A_893 = arith.extui %parallel_loop3A_892 : i1 to i32
        %parallel_loop3A_894 = arith.constant 0 : i32
        %parallel_loop3A_895 = arith.cmpi slt, %parallel_loop3A_882, %parallel_loop3A_894 : i32
        %parallel_loop3A_896 = arith.extui %parallel_loop3A_895 : i1 to i32
        %parallel_loop3A_897 = arith.subi %parallel_loop3A_893, %parallel_loop3A_896 : i32
        %parallel_loop3A_898 = arith.cmpi ne, %parallel_loop3A_890, %parallel_loop3A_897 : i32
        %parallel_loop3A_899 = arith.remsi %parallel_loop3A_881, %parallel_loop3A_882 : i32
        %parallel_loop3A_900 = arith.constant 0 : i32
        %parallel_loop3A_901 = arith.cmpi ne, %parallel_loop3A_899, %parallel_loop3A_900 : i32
        %parallel_loop3A_902 = arith.andi %parallel_loop3A_898, %parallel_loop3A_901 : i1
        %parallel_loop3A_903 = arith.constant 1 : i32
        %parallel_loop3A_904 = arith.subi %parallel_loop3A_883, %parallel_loop3A_903 : i32
        %parallel_loop3A_905 = arith.select %parallel_loop3A_902, %parallel_loop3A_904, %parallel_loop3A_883 : i32
        %parallel_loop3A_906 = arith.constant 256 : i32
        %parallel_loop3A_907 = arith.remsi %parallel_loop3A_881, %parallel_loop3A_906 : i32
        %parallel_loop3A_908 = arith.constant 3 : i32
        %parallel_loop3A_909 = arith.index_cast %parallel_loop3A_908 : i32 to index
        %parallel_loop3A_910 = arith.index_cast %parallel_loop3A_905 : i32 to index
        %parallel_loop3A_911 = arith.index_cast %parallel_loop3A_907 : i32 to index
        %parallel_loop3A_912 = tpu.vector_load %arg6[%parallel_loop3A_909, %parallel_loop3A_910, %parallel_loop3A_911] {strides = array<i32>} : memref<4x8x256xi32, #tpu.memory_space<vmem>>, vector<16xi32>,
        %parallel_loop3A_913 = tpu.vector_load_idx %arg5[%parallel_loop3A_912] : memref<100000xf32, #tpu.memory_space<vmem>>[vector<16xi32>], vector<16xf32>,
        %parallel_loop3A_914 = arith.constant 128 : i32
        %parallel_loop3A_915 = arith.divsi %parallel_loop3A_881, %parallel_loop3A_914 : i32
        %parallel_loop3A_916 = arith.constant 0 : i32
        %parallel_loop3A_917 = arith.cmpi sgt, %parallel_loop3A_881, %parallel_loop3A_916 : i32
        %parallel_loop3A_918 = arith.extui %parallel_loop3A_917 : i1 to i32
        %parallel_loop3A_919 = arith.constant 0 : i32
        %parallel_loop3A_920 = arith.cmpi slt, %parallel_loop3A_881, %parallel_loop3A_919 : i32
        %parallel_loop3A_921 = arith.extui %parallel_loop3A_920 : i1 to i32
        %parallel_loop3A_922 = arith.subi %parallel_loop3A_918, %parallel_loop3A_921 : i32
        %parallel_loop3A_923 = arith.constant 0 : i32
        %parallel_loop3A_924 = arith.cmpi sgt, %parallel_loop3A_914, %parallel_loop3A_923 : i32
        %parallel_loop3A_925 = arith.extui %parallel_loop3A_924 : i1 to i32
        %parallel_loop3A_926 = arith.constant 0 : i32
        %parallel_loop3A_927 = arith.cmpi slt, %parallel_loop3A_914, %parallel_loop3A_926 : i32
        %parallel_loop3A_928 = arith.extui %parallel_loop3A_927 : i1 to i32
        %parallel_loop3A_929 = arith.subi %parallel_loop3A_925, %parallel_loop3A_928 : i32
        %parallel_loop3A_930 = arith.cmpi ne, %parallel_loop3A_922, %parallel_loop3A_929 : i32
        %parallel_loop3A_931 = arith.remsi %parallel_loop3A_881, %parallel_loop3A_914 : i32
        %parallel_loop3A_932 = arith.constant 0 : i32
        %parallel_loop3A_933 = arith.cmpi ne, %parallel_loop3A_931, %parallel_loop3A_932 : i32
        %parallel_loop3A_934 = arith.andi %parallel_loop3A_930, %parallel_loop3A_933 : i1
        %parallel_loop3A_935 = arith.constant 1 : i32
        %parallel_loop3A_936 = arith.subi %parallel_loop3A_915, %parallel_loop3A_935 : i32
        %parallel_loop3A_937 = arith.select %parallel_loop3A_934, %parallel_loop3A_936, %parallel_loop3A_915 : i32
        %parallel_loop3A_938 = arith.constant 128 : i32
        %parallel_loop3A_939 = arith.remsi %parallel_loop3A_881, %parallel_loop3A_938 : i32
        %parallel_loop3A_940 = arith.constant 3 : i32
        %parallel_loop3A_941 = arith.index_cast %parallel_loop3A_940 : i32 to index
        %parallel_loop3A_942 = arith.index_cast %parallel_loop3A_937 : i32 to index
        %parallel_loop3A_943 = arith.index_cast %parallel_loop3A_939 : i32 to index
        %parallel_loop3A_944 = tpu.vector_load %arg7[%parallel_loop3A_941, %parallel_loop3A_942, %parallel_loop3A_943] {strides = array<i32>} : memref<4x16x128xf32, #tpu.memory_space<vmem>>, vector<16xf32>,
        tpu.vector_store %arg7[%parallel_loop3A_941, %parallel_loop3A_942, %parallel_loop3A_943], %parallel_loop3A_913 {strides = array<i32>} : memref<4x16x128xf32, #tpu.memory_space<vmem>>, vector<16xf32>,
      } {sc.loop_unroll_factor = 8 : i64, sc.parallel_access}
      %dma_start3A_869 = arith.constant 3 : i32
      %dma_start3A_870 = arith.constant 3 : i32
      %dma_start3A_871 = arith.constant 0 : i32
      %dma_start3A_872 = arith.constant 0 : i32
      %dma_start3A_873 = tpu.memref_slice %arg7[%dma_start3A_869, %dma_start3A_871, %dma_start3A_872] : memref<4x16x128xf32, #tpu.memory_space<vmem>> -> memref<1x16x128xf32, #tpu.memory_space<vmem>>
      %dma_start3A_874 = tpu.memref_squeeze %dma_start3A_873 : memref<1x16x128xf32, #tpu.memory_space<vmem>> -> memref<16x128xf32, #tpu.memory_space<vmem>>
      %dma_start3A_875 = arith.constant 0 : i32
      %dma_start3A_876 = tpu.memref_slice %arg8[%dma_start3A_870, %dma_start3A_875] : memref<4x16xi32, #tpu.memory_space<vmem>> -> memref<1x16xi32, #tpu.memory_space<vmem>>
      %dma_start3A_877 = tpu.memref_squeeze %dma_start3A_876 : memref<1x16xi32, #tpu.memory_space<vmem>> -> memref<16xi32, #tpu.memory_space<vmem>>
      %dma_start3A_878 = arith.constant 0 : i32
      %dma_start3A_879 = arith.constant 0 : i32
      %dma_start3A_880 = tpu.memref_slice %arg4[%dma_start3A_878, %dma_start3A_879] : memref<819200x128xf32, #tpu.memory_space<hbm>> -> memref<819200x128xf32, #tpu.memory_space<hbm>>
      tpu.enqueue_indirect_dma source(%dma_start3A_874 : memref<16x128xf32, #tpu.memory_space<vmem>>) target(%dma_start3A_880 : memref<819200x128xf32, #tpu.memory_space<hbm>>) offsets(%dma_start3A_877 : memref<16xi32, #tpu.memory_space<vmem>>) semaphore(%arg11 : memref<!tpu.dma_semaphore, #tpu.memory_space<semaphore_mem>>)
    }
    %scan3A_93 = arith.constant 400 : i32
    %dma_wait3A_94 = arith.constant 0 : i32
    %dma_wait3A_95 = arith.constant 0 : i32
    %dma_wait3A_96 = arith.constant 0 : i32
    %dma_wait3A_97 = arith.constant 0 : i32
    %dma_wait3A_98 = tpu.memref_slice %arg7[%dma_wait3A_94, %dma_wait3A_96, %dma_wait3A_97] : memref<4x16x128xf32, #tpu.memory_space<vmem>> -> memref<1x16x128xf32, #tpu.memory_space<vmem>>
    %dma_wait3A_99 = tpu.memref_squeeze %dma_wait3A_98 : memref<1x16x128xf32, #tpu.memory_space<vmem>> -> memref<16x128xf32, #tpu.memory_space<vmem>>
    %dma_wait3A_100 = arith.constant 0 : i32
    %dma_wait3A_101 = tpu.memref_slice %arg8[%dma_wait3A_95, %dma_wait3A_100] : memref<4x16xi32, #tpu.memory_space<vmem>> -> memref<1x16xi32, #tpu.memory_space<vmem>>
    %dma_wait3A_102 = tpu.memref_squeeze %dma_wait3A_101 : memref<1x16xi32, #tpu.memory_space<vmem>> -> memref<16xi32, #tpu.memory_space<vmem>>
    %dma_wait3A_103 = arith.constant 0 : i32
    %dma_wait3A_104 = arith.constant 0 : i32
    %dma_wait3A_105 = tpu.memref_slice %arg4[%dma_wait3A_103, %dma_wait3A_104] : memref<819200x128xf32, #tpu.memory_space<hbm>> -> memref<819200x128xf32, #tpu.memory_space<hbm>>
    tpu.wait_indirect_dma semaphore(%arg11 : memref<!tpu.dma_semaphore, #tpu.memory_space<semaphore_mem>>) src(%dma_wait3A_99 : memref<16x128xf32, #tpu.memory_space<vmem>>) dst(%dma_wait3A_105 : memref<819200x128xf32, #tpu.memory_space<hbm>>)
    %dma_wait3A_106 = arith.constant 1 : i32
    %dma_wait3A_107 = arith.constant 1 : i32
    %dma_wait3A_108 = arith.constant 0 : i32
    %dma_wait3A_109 = arith.constant 0 : i32
    %dma_wait3A_110 = tpu.memref_slice %arg7[%dma_wait3A_106, %dma_wait3A_108, %dma_wait3A_109] : memref<4x16x128xf32, #tpu.memory_space<vmem>> -> memref<1x16x128xf32, #tpu.memory_space<vmem>>
    %dma_wait3A_111 = tpu.memref_squeeze %dma_wait3A_110 : memref<1x16x128xf32, #tpu.memory_space<vmem>> -> memref<16x128xf32, #tpu.memory_space<vmem>>
    %dma_wait3A_112 = arith.constant 0 : i32
    %dma_wait3A_113 = tpu.memref_slice %arg8[%dma_wait3A_107, %dma_wait3A_112] : memref<4x16xi32, #tpu.memory_space<vmem>> -> memref<1x16xi32, #tpu.memory_space<vmem>>
    %dma_wait3A_114 = tpu.memref_squeeze %dma_wait3A_113 : memref<1x16xi32, #tpu.memory_space<vmem>> -> memref<16xi32, #tpu.memory_space<vmem>>
    %dma_wait3A_115 = arith.constant 0 : i32
    %dma_wait3A_116 = arith.constant 0 : i32
    %dma_wait3A_117 = tpu.memref_slice %arg4[%dma_wait3A_115, %dma_wait3A_116] : memref<819200x128xf32, #tpu.memory_space<hbm>> -> memref<819200x128xf32, #tpu.memory_space<hbm>>
    tpu.wait_indirect_dma semaphore(%arg11 : memref<!tpu.dma_semaphore, #tpu.memory_space<semaphore_mem>>) src(%dma_wait3A_111 : memref<16x128xf32, #tpu.memory_space<vmem>>) dst(%dma_wait3A_117 : memref<819200x128xf32, #tpu.memory_space<hbm>>)
    %dma_wait3A_118 = arith.constant 2 : i32
    %dma_wait3A_119 = arith.constant 2 : i32
    %dma_wait3A_120 = arith.constant 0 : i32
    %dma_wait3A_121 = arith.constant 0 : i32
    %dma_wait3A_122 = tpu.memref_slice %arg7[%dma_wait3A_118, %dma_wait3A_120, %dma_wait3A_121] : memref<4x16x128xf32, #tpu.memory_space<vmem>> -> memref<1x16x128xf32, #tpu.memory_space<vmem>>
    %dma_wait3A_123 = tpu.memref_squeeze %dma_wait3A_122 : memref<1x16x128xf32, #tpu.memory_space<vmem>> -> memref<16x128xf32, #tpu.memory_space<vmem>>
    %dma_wait3A_124 = arith.constant 0 : i32
    %dma_wait3A_125 = tpu.memref_slice %arg8[%dma_wait3A_119, %dma_wait3A_124] : memref<4x16xi32, #tpu.memory_space<vmem>> -> memref<1x16xi32, #tpu.memory_space<vmem>>
    %dma_wait3A_126 = tpu.memref_squeeze %dma_wait3A_125 : memref<1x16xi32, #tpu.memory_space<vmem>> -> memref<16xi32, #tpu.memory_space<vmem>>
    %dma_wait3A_127 = arith.constant 0 : i32
    %dma_wait3A_128 = arith.constant 0 : i32
    %dma_wait3A_129 = tpu.memref_slice %arg4[%dma_wait3A_127, %dma_wait3A_128] : memref<819200x128xf32, #tpu.memory_space<hbm>> -> memref<819200x128xf32, #tpu.memory_space<hbm>>
    tpu.wait_indirect_dma semaphore(%arg11 : memref<!tpu.dma_semaphore, #tpu.memory_space<semaphore_mem>>) src(%dma_wait3A_123 : memref<16x128xf32, #tpu.memory_space<vmem>>) dst(%dma_wait3A_129 : memref<819200x128xf32, #tpu.memory_space<hbm>>)
    %dma_wait3A_130 = arith.constant 3 : i32
    %dma_wait3A_131 = arith.constant 3 : i32
    %dma_wait3A_132 = arith.constant 0 : i32
    %dma_wait3A_133 = arith.constant 0 : i32
    %dma_wait3A_134 = tpu.memref_slice %arg7[%dma_wait3A_130, %dma_wait3A_132, %dma_wait3A_133] : memref<4x16x128xf32, #tpu.memory_space<vmem>> -> memref<1x16x128xf32, #tpu.memory_space<vmem>>
    %dma_wait3A_135 = tpu.memref_squeeze %dma_wait3A_134 : memref<1x16x128xf32, #tpu.memory_space<vmem>> -> memref<16x128xf32, #tpu.memory_space<vmem>>
    %dma_wait3A_136 = arith.constant 0 : i32
    %dma_wait3A_137 = tpu.memref_slice %arg8[%dma_wait3A_131, %dma_wait3A_136] : memref<4x16xi32, #tpu.memory_space<vmem>> -> memref<1x16xi32, #tpu.memory_space<vmem>>
    %dma_wait3A_138 = tpu.memref_squeeze %dma_wait3A_137 : memref<1x16xi32, #tpu.memory_space<vmem>> -> memref<16xi32, #tpu.memory_space<vmem>>
    %dma_wait3A_139 = arith.constant 0 : i32
    %dma_wait3A_140 = arith.constant 0 : i32
    %dma_wait3A_141 = tpu.memref_slice %arg4[%dma_wait3A_139, %dma_wait3A_140] : memref<819200x128xf32, #tpu.memory_space<hbm>> -> memref<819200x128xf32, #tpu.memory_space<hbm>>
    tpu.wait_indirect_dma semaphore(%arg11 : memref<!tpu.dma_semaphore, #tpu.memory_space<semaphore_mem>>) src(%dma_wait3A_135 : memref<16x128xf32, #tpu.memory_space<vmem>>) dst(%dma_wait3A_141 : memref<819200x128xf32, #tpu.memory_space<hbm>>)
    return
  }
}

</mosaic_0001>

<sc_bundles>
// kernel: kernel.3.cloned.1.call-start
scs
__scs_entry_jumppad:
0x0: {  	(pc) =	sbr.rel $0x88, $3  }
0x1: {  	(tag) =	ssettag $0x0;
	lr =	simm.s32 $0x1  }
0x2: {  	[smem:$0x3F9F] =	sst lr;
	_ =	strace $0xD0000000  }
0x3: {  	_ = 	snop  }
0x4: {  	_ = 	snop  }
0x5: {  	_ = 	snop  }
0x6: {  	_ = 	snop  }
0x7: {  	_ = 	snop  }
__scs_overlays_trampoline_lowered:
0x8: {  	[smem:$0x3FAE] =	sst s0  }
0x9: {  	[smem:$0x3FAF] =	sst s1  }
0xa: {  	[smem:$0x3FB0] =	sst s2  }
0xb: {  	[smem:$0x3FB1] =	sst s3  }
0xc: {  	[smem:$0x3FB2] =	sst s4  }
0xd: {  	[smem:$0x3FB3] =	sst s5  }
0xe: {  	[smem:$0x3FB4] =	sst s6  }
0xf: {  	[smem:$0x3FB5] =	sst s7  }
0x10: {  	[smem:$0x3FB6] =	sst s8  }
0x11: {  	[smem:$0x3FB7] =	sst s9;
	s0 =	simm.s32 @!p0 $0x0  }
0x12: {  	s1 =	sld [smem:$0x3F9D];
	s0 =	simm.s32 @p0 $0x1  }
0x13: {  	[smem:$0x3FB8] =	sst s0;
	s0 =	simm.s32 @!p1 $0x0  }
0x14: {  	s2 =	sld [smem:$0x3F9C];
	s0 =	simm.s32 @p1 $0x1  }
0x15: {  	[smem:$0x3FB9] =	sst s0;
	s0 =	simm.s32 @!p2 $0x0  }
0x16: {  	s3 =	sld [smem:$0x3FDB];
	s0 =	simm.s32 @p2 $0x1  }
0x17: {  	s4 =	simm.s32 $0x1BF5;
	[smem:$0x3FBB] =	sst s0  }
0x18: {  	s0 =	sld [smem:$0x3F9E];
	_ =	swait.ge [sflag:s4], $0x0  }
0x19: {  	s7 =	sld [smem:$0x3F9F]  }
0x1a: {  	s8 =	sadd.s32 $0xFFFFE003, lr  }
0x1b: {  	s9 =	sadd.s32 $0xFFFFFEF7, lr;
	s5 =	simm.s32 $0xFFFFFFFF;
	p2 =	slt.u32 s8, $0xFFFFF086  }
0x1c: {  	p1 =	slt.u32 s9, $0xF7A;
	s5 =	simm.s32 @!p2 $0x0  }
0x1d: {  	s5 =	simm.s32 @p1 $0x1;
	p0 =	seq.s32 s7, s2  }
0x1e: {  	s7 =	smul.u32 @!p0 $0xF7A, s2;
	p2 =	seq.s32 @!p0 s5, $0x0  }
0x1f: {  	s9 =	smul.u32 $0xF7A, s1;
	s8 =	simm.s32 @!p0 $0x1BF5;
	p2 =	por !p2, p0  }
0x20: {  	[sflag:s8] =	ssyncset.s32 @!p0 $0xFFFFF086;
	s6 =	sadd.s32 @!p0 s3, s7;
	s7 =	simm.s32 @!p0 $0x108  }
0x21: {  	s3 =	sadd.s32 s3, s9;
	s6 =	sadd.s32 @!p0 $0x88, s6;
	s7 =	simm.s32 @p2 $0x1082  }
0x22: {  	[simem:s7], [sflag:s8] =	dma.local @!p0 [hbm:s6], $0xF7A  }
0x23: {  	s9 =	sor.u32 $0xD0000000, s2;
	s6 =	simm.s32 $0x108;
	_ =	swait.ge @!p0 [sflag:s8], $0x0  }
0x24: {  	s3 =	sadd.s32 $0x88, s3;
	s6 =	simm.s32 @!p1 $0x1082;
	[sflag:s4] =	ssyncset.s32 $0xFFFFF086  }
0x25: {  	[simem:s6], [sflag:s4] =	dma.local [hbm:s3], $0xF7A  }
0x26: {  	[smem:$0x3F9F] =	sst s1;
	(tag) =	ssettag s2;
	_ =	strace s9  }
0x27: {  	s1 =	sld [smem:$0x3FAF]  }
0x28: {  	s2 =	sld [smem:$0x3FB0]  }
0x29: {  	s4 =	sld [smem:$0x3FB2]  }
0x2a: {  	p0 =	seq.s32 s5, $0x0;
	s5 =	sld [smem:$0x3FB3]  }
0x2b: {  	s6 =	sld [smem:$0x3FB4]  }
0x2c: {  	s7 =	sld [smem:$0x3FB5]  }
0x2d: {  	s3 =	simm.s32 $0x108;
	s8 =	sld [smem:$0x3FB6]  }
0x2e: {  	s3 =	simm.s32 @!p0 $0x1082;
	s9 =	sld [smem:$0x3FB7]  }
0x2f: {  	lr =	sadd.s32 s0, s3;
	s0 =	sld [smem:$0x3FAE]  }
0x30: {  	s3 =	sld [smem:$0x3FB1]  }
0x31: {  	[smem:$0x3FBA] =	sst s10  }
0x32: {  	s10 =	sld [smem:$0x3FB8];
	_ =	sdelay $0x3  }
0x33: {  	p0 =	seq.s32 s10, $0x1;
	s10 =	sld [smem:$0x3FBA];
	_ =	sdelay $0x3  }
0x34: {  	[smem:$0x3FBA] =	sst s10  }
0x35: {  	s10 =	sld [smem:$0x3FB9];
	_ =	sdelay $0x3  }
0x36: {  	p1 =	seq.s32 s10, $0x1;
	s10 =	sld [smem:$0x3FBA];
	_ =	sdelay $0x3  }
0x37: {  	[smem:$0x3FBA] =	sst s10  }
0x38: {  	s10 =	sld [smem:$0x3FBB]  }
0x39: {  	_ = 	snop;
	(pc) =	sbr.ind lr, $3  }
0x3a: {  	_ = 	snop  }
0x3b: {  	_ = 	snop  }
0x3c: {  	p2 =	seq.s32 s10, $0x1;
	s10 =	sld [smem:$0x3FBA]  }
0x3d: {  	_ =	shalt  }
0x3e: {  	_ =	shalt  }
0x3f: {  	_ =	shalt  }
0x40: {  	_ =	shalt  }
0x41: {  	_ =	shalt  }
0x42: {  	_ =	shalt  }
0x43: {  	_ =	shalt  }
0x44: {  	_ =	shalt  }
0x45: {  	_ =	shalt  }
0x46: {  	_ =	shalt  }
0x47: {  	_ =	shalt  }
0x48: {  	_ =	shalt  }
0x49: {  	_ =	shalt  }
0x4a: {  	_ =	shalt  }
0x4b: {  	_ =	shalt  }
0x4c: {  	_ =	shalt  }
0x4d: {  	_ =	shalt  }
0x4e: {  	_ =	shalt  }
0x4f: {  	_ =	shalt  }
0x50: {  	_ =	shalt  }
0x51: {  	_ =	shalt  }
0x52: {  	_ =	shalt  }
0x53: {  	_ =	shalt  }
0x54: {  	_ =	shalt  }
0x55: {  	_ =	shalt  }
0x56: {  	_ =	shalt  }
0x57: {  	_ =	shalt  }
0x58: {  	_ =	shalt  }
0x59: {  	_ =	shalt  }
0x5a: {  	_ =	shalt  }
0x5b: {  	_ =	shalt  }
0x5c: {  	_ =	shalt  }
0x5d: {  	_ =	shalt  }
0x5e: {  	_ =	shalt  }
0x5f: {  	_ =	shalt  }
0x60: {  	_ =	shalt  }
0x61: {  	_ =	shalt  }
0x62: {  	_ =	shalt  }
0x63: {  	_ =	shalt  }
0x64: {  	_ =	shalt  }
0x65: {  	_ =	shalt  }
0x66: {  	_ =	shalt  }
0x67: {  	_ =	shalt  }
0x68: {  	_ =	shalt  }
0x69: {  	_ =	shalt  }
0x6a: {  	_ =	shalt  }
0x6b: {  	_ =	shalt  }
0x6c: {  	_ =	shalt  }
0x6d: {  	_ =	shalt  }
0x6e: {  	_ =	shalt  }
0x6f: {  	_ =	shalt  }
0x70: {  	_ =	shalt  }
0x71: {  	_ =	shalt  }
0x72: {  	_ =	shalt  }
0x73: {  	_ =	shalt  }
0x74: {  	_ =	shalt  }
0x75: {  	_ =	shalt  }
0x76: {  	_ =	shalt  }
0x77: {  	_ =	shalt  }
0x78: {  	_ =	shalt  }
0x79: {  	_ =	shalt  }
0x7a: {  	_ =	shalt  }
0x7b: {  	_ =	shalt  }
0x7c: {  	_ =	shalt  }
0x7d: {  	_ =	shalt  }
0x7e: {  	_ =	shalt  }
0x7f: {  	_ =	shalt  }
0x80: {  	_ =	shalt  }
0x81: {  	_ =	shalt  }
0x82: {  	_ =	shalt  }
0x83: {  	_ =	shalt  }
0x84: {  	_ =	shalt  }
0x85: {  	_ =	shalt  }
0x86: {  	_ =	shalt  }
0x87: {  	_ =	shalt  }
.Lfunc_end0:
.L_simem_size_0:
called_computation_lowered:
.L_overlay_start_0:
0x88: {  	s2 =	sld [smem:$0x3FD9]  }
0x89: {  	s3 =	sld [smem:$0x3FFE];
	_ =	sdelay $0x1  }
0x8a: {  	s1 =	srdreg.scid  }
0x8b: {  	s0 =	sand.u32 $0x1, s1  }
0x8c: {  	s18 =	sshll.u32 s0, $0xA;
	s2 =	sadd.s32 s3, s2  }
0x8d: {  	s2 =	sadd.s32 s2, s18  }
0x8e: {  	[smem:$0x3FC6] =	sst s2  }
0x8f: {  	_ = 	snop  }
0x90: {  	s2 =	sld [smem:$0x3FC9]  }
0x91: {  	s19 =	sld [smem:$0x3FC8]  }
0x92: {  	s4 =	sld [smem:$0x3FD0];
	(tm) =	ssettm $0x1  }
0x93: {  	s5 =	sld [smem:$0x3FFB];
	_ =	sdelay $0x3  }
0x94: {  	_ =	strace s5  }
0x95: {  	s5 =	sld [smem:$0x3FFC];
	_ =	sdelay $0x3  }
0x96: {  	_ =	strace s5  }
0x97: {  	s5 =	sld [smem:$0x3FFD];
	_ =	sdelay $0x3  }
0x98: {  	_ =	strace s5  }
0x99: {  	_ =	strace $0x8FFFFFFF  }
0x9a: {  	s20 =	sld [smem:$0x3FDB];
	_ =	sdelay $0x1  }
0x9b: {  	s6 =	simm.s32 $_scs_section_size  }
0x9c: {  	s7 =	simm.s32 $_size__tile_overlayer_lowered;
	s8 =	simm.s32 $_tile_overlayer_lowered  }
0x9d: {  	s23 =	simm.s32 $0x1BFF;
	s22 =	sshll.u32 s8, $0x1;
	s5 =	sadd.s32 s6, s20  }
0x9e: {  	s9 =	simm.s32 $0x0;
	s21 =	sshll.u32 s7, $0x1;
	s7 =	sadd.s32 s22, s5  }
0x9f: {  	[timem:s9], [sflag:s23] =	dma.local [hbm:s7], s21  }
0xa0: {  	_ =	swait.ge [sflag:s23], s21  }
0xa1: {  	s6 =	ssub.s32 $0x0, s21;
	[sflag:s23] =	ssyncset.done $0x0  }
0xa2: {  	[sflag:s23] =	ssyncadd.s32 s6;
	_ =	sdelay $0x1  }
0xa3: {  	s24 =	simm.s32 $0x1B8B  }
0xa4: {  	_ =	swait.ge [sflag:s24], $0x1  }
0xa5: {  	[sflag:s24] =	ssyncset.done $0x0  }
0xa6: {  	s25 =	simm.s32 $0x1B8E;
	[sflag:s24] =	ssyncadd.s32 $0xFFFFFFFF  }
0xa7: {  	s26 =	simm.s32 $execute0_lowered;
	[smem:$0x3FD2] =	sst s25  }
0xa8: {  	s6 =	sshll.u32 s26, $0x1;
	_ =	strace $0x80000046;
	[dreg:$0x1] =	wrdreg $0xFFFFFFFF  }
0xa9: {  	s28 =	simm.s32 $_size_execute0_lowered;
	s5 =	sadd.s32 s5, s6;
	[dreg:$0x0] =	wrdreg $0x0  }
0xaa: {  	s6 =	sshll.u32 s28, $0x1;
	[dreg:$0x2] =	wrdreg s5  }
0xab: {  	[dreg:$0x3] =	wrdreg s6  }
0xac: {  	[dreg:$0x4] =	wrdreg $0xC0  }
0xad: {  	_ =	task [dreg:s9], $0x5FFFF  }
0xae: {  	[dreg:$0x1] =	wrdreg $0xFFFFFFFF  }
0xaf: {  	[dreg:$0x0] =	wrdreg $0x60  }
0xb0: {  	[dreg:$0x2] =	wrdreg s2  }
0xb1: {  	[dreg:$0x3] =	wrdreg s19  }
0xb2: {  	[dreg:$0x4] =	wrdreg s4  }
0xb3: {  	[dreg:$0x5] =	wrdreg $0x9  }
0xb4: {  	_ =	task.clear_ibuf [dreg:s9], $0x6FFFF;
	_ =	strace $0x90000046  }
0xb5: {  	s29 =	simm.s32 $0x9;
	_ =	strace $0x80000048  }
0xb6: {  	_ =	swait.ge [sflag:s29], $0x1  }
0xb7: {  	[sflag:s29] =	ssyncadd.s32 $0xFFFFFFFF  }
0xb8: {  	_ =	strace $0x90000048  }
0xb9: {  	_ =	sfence  }
0xba: {  	s30 =	sld [smem:$0x0];
	_ =	sdelay $0x2  }
0xbb: {  	s31 =	sshll.u32 s1, $0xD;
	s1 =	sshrl.u32 s1, $0x2  }
0xbc: {  	s3 =	sand.u32 $0x4000, s31;
	s1 =	sadd.s32 s1, s30  }
0xbd: {  	s0 =	sor.u32 s3, s0;
	s1 =	sshll.u32 s1, $0x11  }
0xbe: {  	s0 =	sor.u32 s1, s0  }
0xbf: {  	s0 =	sadd.s32 $0x8F2B, s0  }
0xc0: {  	[sflag:s0] =	ssyncadd.remote.s32 $0x1  }
0xc1: {  	_ =	sfence.sel $0xFFFF  }
0xc2: {  	[dreg:$0x0] =	wrdreg $0xFFFFFFFF;
	(pc) =	sbr.abs _section_cstart, $3  }
0xc3: {  	[dreg:$0x1] =	wrdreg $0xFFFFFFFF  }
0xc4: {  	_ =	task.clear_ibuf [dreg:s9], $0x2FFFF;
	_ =	strace $0x9FFFFFFF  }
0xc5: {  	(tm) =	ssettm $0x7FFFFFFF  }
tec
execute0_lowered:
.L_overlay_start_1:
0x0: {  	(tag) =	ssettag $0x1  }
0x1: {  	s0 =	rddreg [dreg:$0x0]  }
0x2: {  	s1 =	rddreg [dreg:$0x1];
	v0 =	vimm.s32 $0x800  }
0x3: {  	s3 =	rddreg [dreg:$0x2];
	v0 =	vunpack.c.0.s8.s32 v0  }
0x4: {  	s2 =	srdreg.scid;
	s9 =	stileid.u32;
	vm0 =	vcmask $0x700  }
0x5: {  	s4 =	simm.s32 $0x0;
	vm15 =	vcmask $0xB08;
	s19 =	simm.s32 $0x2;
	s21 =	simm.s32 $0x10;
	v0 =	vnsel vm0, $0x7008, v0  }
0x6: {  	vm4 =	vcmask $0xF0C;
	s22 =	simm.s32 $0x1C700;
	s23 =	simm.s32 $0x1A700;
	s28 =	simm.s32 $0x1B700;
	v0 =	vsel vm15, $0x1000, v0  }
0x7: {  	vm5 =	vcmask $0x1310;
	s29 =	simm.s32 $0x1C880;
	s30 =	simm.s32 $0x1BF00;
	s31 =	simm.s32 $0x3;
	v0 =	vsel vm4, $0x1008, v0  }
0x8: {  	vm6 =	vcmask $0x1714;
	s2 =	sand.u32 $0x1, s2;
	s5 =	sshll.u32 s9, $0x1;
	s6 =	sshrl.u32 s9, $0x2;
	v0 =	vsel vm5, $0x2000, v0  }
0x9: {  	vm7 =	vcmask $0x1B18;
	[smem:$0x7FF] =	sst s4;
	s9 =	sshll.u32 s9, $0x8;
	s24 =	sadd.s32 $0x100, s0;
	v0 =	vsel vm6, $0x2008, v0  }
0xa: {  	vm8 =	vcmask $0x1F1C;
	s25 =	sadd.s32 $0x200, s0;
	s10 =	sadd.s32 $0x500, s0;
	s20 =	smov.u32 s0;
	v0 =	vsel vm7, $0x3000, v0  }
0xb: {  	vm9 =	vcmask $0x2320;
	s11 =	sadd.s32 $0x600, s0;
	s5 =	sor.u32 s2, s5;
	s6 =	smul.u32 $0xC3800, s6;
	v0 =	vsel vm8, $0x3008, v0  }
0xc: {  	vm10 =	vcmask $0x2724;
	_ =	strace $0x80000047;
	s2 =	ssub.s32 $0x2, s2;
	[dreg:$0x5] =	wrdreg s24;
	v0 =	vsel vm9, $0x4000, v0  }
0xd: {  	vm11 =	vcmask $0x2B28;
	[dreg:$0x6] =	wrdreg s25;
	s24 =	simm.s32 $0x1C780;
	s7 =	sshll.u32 s5, $0x7;
	v0 =	vsel vm10, $0x4008, v0  }
0xe: {  	vm12 =	vcmask $0x2F2C;
	s25 =	simm.s32 $0x1AF00;
	s8 =	sshrl.u32 s2, $0x1;
	s7 =	sand.u32 $0x380, s7;
	v0 =	vsel vm11, $0x5000, v0  }
0xf: {  	vm13 =	vcmask $0x3330;
	s5 =	sor.u32 s9, s5;
	s2 =	ssub.s32 s2, s8;
	s6 =	sor.u32 s6, s7;
	v0 =	vsel vm12, $0x5008, v0  }
0x10: {  	vm14 =	vcmask $0x3734;
	s9 =	sadd.s32 $0x400, s0;
	s26 =	smax.u32 s2, $0x1;
	s6 =	sshrl.u32 s6, $0x3;
	v0 =	vsel vm13, $0x6000, v0  }
0x11: {  	s5 =	sand.u32 $0xC07, s5;
	vm15 =	vcmask $0x3B38;
	[dreg:$0x7] =	wrdreg s26;
	s1 =	sadd.s32 s1, s6;
	v0 =	vsel vm14, $0x6008, v0  }
0x12: {  	s26 =	simm.s32 $0x1C800;
	[dreg:$0x4] =	wrdreg s1;
	s1 =	simm.s32 $0x0;
	v0 =	vsel vm15, $0x7000, v0  }
.LBB2_1:
0x13: {  	s0 =	rddreg [dreg:$0x4];
	s12 =	simm.s32 $0x80;
	s2 =	simm.s32 $0x400  }
0x14: {  	[tilespmem:s4], [sflag:$0x1] =	stream.strided.gather [hbm4b:s0+s12], $0x18700, s2, s12, $0x38;
	[tilespmem:$0x1C900] =	vst v63  }
0x15: {  	[dreg:$0x8] =	wrdreg s1;
	s13 =	simm.s32 $0x18700  }
0x16: {  	[tilespmem:s13], [sflag:$0x2] =	stream.linear.gather [hbm4b:s20+s4], $0x800, $0x38;
	[tilespmem:$0x1C900] =	vst v63  }
0x17: {  	s14 =	rddreg [dreg:$0x5];
	s15 =	simm.s32 $0x18F00  }
0x18: {  	[tilespmem:s15], [sflag:$0x2] =	stream.linear.gather [hbm4b:s14+s4], $0x800, $0x38;
	[tilespmem:$0x1C900] =	vst v63  }
0x19: {  	s16 =	rddreg [dreg:$0x6];
	s17 =	simm.s32 $0x19700;
	s18 =	simm.s32 $0x1  }
0x1a: {  	[tilespmem:s17], [sflag:$0x2] =	stream.linear.gather [hbm4b:s16+s4], $0x800, $0x38;
	[tilespmem:$0x1C900] =	vst v63  }
0x1b: {  	_ =	swait.ge [sflag:s18], $0x18700  }
0x1c: {  	[sflag:s18] =	ssyncset.done $0x0  }
0x1d: {  	s2 =	simm.s32 $0x0;
	[sflag:s18] =	ssyncadd.s32 $0xFFFE7900  }
.LBB2_2:
0x1e: {  	s13 =	sshllo.u32 s2, $0x2;
	s14 =	sshll.u32 s2, $0xA;
	_ =	swait.ge [sflag:s19], $0x800  }
0x1f: {  	s0 =	simm.s32 $0x19F00;
	p0 =	seq.s32 s2, $0x0;
	s1 =	sshll.u32 s2, $0xB  }
0x20: {  	s8 =	sshll.u32 s2, $0x6;
	s6 =	sand.u32 $0x7C000, s14;
	s7 =	sshll.u32 s13, $0x8  }
0x21: {  	[sflag:s19] =	ssyncset.done $0x0;
	s7 =	sand.u32 $0x3F00, s7;
	s6 =	sadd.s32 s20, s6  }
0x22: {  	s15 =	sand.u32 $0xF8000, s1;
	[sflag:s19] =	ssyncadd.s32 $0xFFFFF800;
	s6 =	sadd.s32 s7, s6  }
0x23: {  	[tilespmem:s0], [sflag:$0x2] =	stream.linear.gather [hbm4b:s6+s4], $0x800, $0x38;
	[tilespmem:$0x1C900] =	vst v63  }
0x24: {  	s16 =	sand.u32 $0x3C0, s8;
	s8 =	simm.s32 $0x0;
	s6 =	simm.s32 @!p0 $0x3  }
0x25: {  	s12 =	sor.u32 s5, s15;
	s18 =	sand.u32 $0x1000, s8;
	_ =	swait.ge @!p0 [sflag:s6], $0x800  }
0x26: {  	s1 =	sand.u32 $0x380, s8;
	s17 =	sor.u32 s16, s12;
	[sflag:s6] =	ssyncset.done @!p0 $0x0  }
0x27: {  	s8 =	sand.u32 $0x400, s8;
	v1 =	vor.u32 s17, v0;
	s0 =	sshrl.u32 s18, $0x2;
	[sflag:s6] =	ssyncadd.s32 @!p0 $0xFFFFF800  }
0x28: {  	s7 =	sor.u32 s1, s8;
	s6 =	sor.u32 s1, s0;
	[tilespmem:$0x1C700] =	vst v1  }
0x29: {  	s7 =	sadd.s32 $0x18700, s7;
	v1 =	vld [tilespmem:s6+$0x18700]  }
0x2a: {  	v2 =	vld [tilespmem:s7+$0x70]  }
0x2b: {  	v3 =	vld [tilespmem:s7+$0x10]  }
0x2c: {  	v4 =	vld [tilespmem:s7+$0x20]  }
0x2d: {  	v5 =	vld [tilespmem:s7+$0x30]  }
0x2e: {  	s8 =	simm.s32 $0x1000;
	v6 =	vld [tilespmem:s7+$0x40]  }
0x2f: {  	s12 =	sand.u32 $0x1000, s8;
	s17 =	simm.s32 $0x40;
	v7 =	vld [tilespmem:s7+$0x50];
	s6 =	simm.s32 $0x400  }
0x30: {  	s18 =	sand.u32 $0x380, s17;
	v8 =	vld [tilespmem:s7+$0x60];
	s7 =	sshrl.u32 s12, $0x2;
	s12 =	sand.u32 $0x400, s6  }
0x31: {  	s8 =	sor.u32 s18, s12  }
0x32: {  	s8 =	sadd.s32 $0x18700, s8  }
0x33: {  	v13 =	vld [tilespmem:s8+$0x70]  }
0x34: {  	v14 =	vld [tilespmem:s8+$0x10]  }
0x35: {  	v1 =	vld.idx.msk [tilespmem:v1+s4+$0x0], $0xffff  }
0x36: {  	v2 =	vld.idx.msk [tilespmem:v2+s4+$0x0], $0xffff  }
0x37: {  	v9 =	vld.idx.msk [tilespmem:v3+s4+$0x0], $0xffff  }
0x38: {  	v4 =	vld.idx.msk [tilespmem:v4+s4+$0x0], $0xffff  }
0x39: {  	v10 =	vld.idx.msk [tilespmem:v5+s4+$0x0], $0xffff  }
0x3a: {  	v6 =	vld.idx.msk [tilespmem:v6+s4+$0x0], $0xffff  }
0x3b: {  	s7 =	sor.u32 s18, s7;
	v12 =	vld.idx.msk [tilespmem:v8+s4+$0x0], $0xffff  }
0x3c: {  	v8 =	vld [tilespmem:s7+$0x18700]  }
0x3d: {  	v11 =	vld.idx.msk [tilespmem:v7+s4+$0x0], $0xffff;
	s7 =	simm.s32 $0x1A740  }
0x3e: {  	v3 =	vld [tilespmem:s8+$0x20];
	[tilespmem:s7+$0xFFFFFFC0] =	vst v1  }
0x3f: {  	v5 =	vld [tilespmem:s8+$0x30];
	[tilespmem:s7+$0x30] =	vst v2  }
0x40: {  	v7 =	vld [tilespmem:s8+$0x40];
	[tilespmem:s7+$0xFFFFFFD0] =	vst v9  }
0x41: {  	[tilespmem:s7+$0xFFFFFFE0] =	vst v4;
	v2 =	vld [tilespmem:s8+$0x50]  }
0x42: {  	[tilespmem:s7+$0xFFFFFFF0] =	vst v10;
	v1 =	vld [tilespmem:s8+$0x60]  }
0x43: {  	[tilespmem:s7+$0x0] =	vst v6;
	v6 =	vld.idx.msk [tilespmem:v13+s4+$0x0], $0xffff  }
0x44: {  	[tilespmem:s7+$0x10] =	vst v11;
	v8 =	vld.idx.msk [tilespmem:v8+s4+$0x0], $0xffff  }
0x45: {  	s12 =	simm.s32 $0x2000;
	[tilespmem:s7+$0x20] =	vst v12;
	s8 =	simm.s32 $0x80;
	v4 =	vld.idx.msk [tilespmem:v14+s4+$0x0], $0xffff  }
.LBB2_3:
0x46: {  	s18 =	sand.u32 $0x1000, s12;
	v3 =	vld.idx.msk [tilespmem:v3+s4+$0x0], $0xffff  }
0x47: {  	s18 =	sshrl.u32 s18, $0x2;
	v5 =	vld.idx.msk [tilespmem:v5+s4+$0x0], $0xffff  }
0x48: {  	s17 =	sadd.s32 $0x40, s17;
	s6 =	sadd.s32 $0x400, s6;
	s7 =	sadd.s32 $0x80, s7;
	v7 =	vld.idx.msk [tilespmem:v7+s4+$0x0], $0xffff  }
0x49: {  	s8 =	sadd.s32 $0x80, s8;
	s1 =	sand.u32 $0x380, s17;
	s0 =	sand.u32 $0x400, s6;
	[tilespmem:s7+$0xFFFFFFC0] =	vst v8;
	v2 =	vld.idx.msk [tilespmem:v2+s4+$0x0], $0xffff  }
0x4a: {  	p0 =	slt.u32 s8, $0x780;
	s18 =	sor.u32 s1, s18;
	s0 =	sor.u32 s1, s0;
	v1 =	vld.idx.msk [tilespmem:v1+s4+$0x0], $0xffff;
	[tilespmem:s7+$0x30] =	vst v6  }
0x4b: {  	s0 =	sadd.s32 $0x18700, s0;
	v6 =	vld [tilespmem:s18+$0x18700];
	[tilespmem:s7+$0xFFFFFFD0] =	vst v4  }
0x4c: {  	v4 =	vld [tilespmem:s0+$0x70];
	[tilespmem:s7+$0xFFFFFFE0] =	vst v3  }
0x4d: {  	v9 =	vld [tilespmem:s0+$0x10];
	[tilespmem:s7+$0xFFFFFFF0] =	vst v5  }
0x4e: {  	v3 =	vld [tilespmem:s0+$0x20];
	[tilespmem:s7+$0x0] =	vst v7  }
0x4f: {  	v5 =	vld [tilespmem:s0+$0x30];
	[tilespmem:s7+$0x10] =	vst v2  }
0x50: {  	v7 =	vld [tilespmem:s0+$0x40];
	[tilespmem:s7+$0x20] =	vst v1  }
.Ltmp0:
0x51: {  	v2 =	vld [tilespmem:s0+$0x50];
	(pc) =	sbr.rel @p0 .LBB2_3-.Ltmp0, $4  }
0x52: {  	v1 =	vld [tilespmem:s0+$0x60]  }
0x53: {  	v8 =	vld.idx.msk [tilespmem:v6+s4+$0x0], $0xffff  }
0x54: {  	v6 =	vld.idx.msk [tilespmem:v4+s4+$0x0], $0xffff  }
0x55: {  	s12 =	sadd.s32 $0x1000, s12;
	v4 =	vld.idx.msk [tilespmem:v9+s4+$0x0], $0xffff  }
0x56: {  	_ =	sdelay $0x3  }
0x57: {  	v3 =	vld.idx.msk [tilespmem:v3+s4+$0x0], $0xffff  }
0x58: {  	v5 =	vld.idx.msk [tilespmem:v5+s4+$0x0], $0xffff;
	s0 =	sadd.s32 $0x80, s7  }
0x59: {  	v7 =	vld.idx.msk [tilespmem:v7+s4+$0x0], $0xffff;
	[tilespmem:s0+$0xFFFFFFC0] =	vst v8  }
0x5a: {  	v2 =	vld.idx.msk [tilespmem:v2+s4+$0x0], $0xffff;
	[tilespmem:s0+$0x30] =	vst v6  }
0x5b: {  	v1 =	vld.idx.msk [tilespmem:v1+s4+$0x0], $0xffff;
	[tilespmem:s0+$0xFFFFFFD0] =	vst v4  }
0x5c: {  	[tilespmem:s0+$0xFFFFFFE0] =	vst v3  }
0x5d: {  	[tilespmem:s0+$0xFFFFFFF0] =	vst v5  }
0x5e: {  	[tilespmem:s0+$0x0] =	vst v7  }
0x5f: {  	[tilespmem:s0+$0x10] =	vst v2  }
0x60: {  	[tilespmem:s0+$0x20] =	vst v1  }
0x61: {  	[hbm4b:s3+s21] =	stream.indirect.scatter [tilespmem:s23], [sflag:$0x3], $0x80, s22, s21, $0xb8;
	[tilespmem:$0x1C900] =	vst v63  }
0x62: {  	p0 =	seq.s32 s2, $0x18F;
	_ =	swait.ge [sflag:s19], $0x800  }
0x63: {  	p1 =	seq.s32 @!p0 s2, $0x0;
	s1 =	simm.s32 @!p0 $0x0;
	[sflag:s19] =	ssyncset.done $0x0  }
0x64: {  	s6 =	simm.s32 @!p0 $0x18700;
	s0 =	sadd.s32 @!p0 s14, s9;
	[sflag:s19] =	ssyncadd.s32 $0xFFFFF800  }
0x65: {  	[tilespmem:s6], [sflag:$0x2] =	stream.linear.gather @!p0 [hbm4b:s0+s1], $0x800, $0x38;
	[tilespmem:$0x1C900] =	vst v63  }
0x66: {  	s7 =	simm.s32 $0x0;
	p1 =	por p0, !p1;
	s6 =	sor.u32 s16, s5  }
0x67: {  	s12 =	sand.u32 $0x1000, s7;
	_ =	swait.ge @p1 [sflag:s31], $0x800;
	s16 =	sor.u32 s15, s6  }
0x68: {  	s18 =	sand.u32 $0x380, s7;
	[sflag:s31] =	ssyncset.done @p1 $0x0;
	s8 =	sor.u32 $0x10, s16  }
0x69: {  	s17 =	sshrl.u32 s12, $0x2;
	s0 =	sand.u32 $0x400, s7;
	[sflag:s31] =	ssyncadd.s32 @p1 $0xFFFFF800;
	v1 =	vor.u32 s8, v0  }
0x6a: {  	s1 =	sor.u32 s18, s17;
	s0 =	sor.u32 s18, s0;
	[tilespmem:$0x1C780] =	vst v1  }
0x6b: {  	s0 =	sadd.s32 $0x18700, s0;
	v1 =	vld [tilespmem:s1+$0x18F00]  }
0x6c: {  	v2 =	vld [tilespmem:s0+$0x870]  }
0x6d: {  	v3 =	vld [tilespmem:s0+$0x810]  }
0x6e: {  	v4 =	vld [tilespmem:s0+$0x820]  }
0x6f: {  	s17 =	simm.s32 $0x40;
	s6 =	simm.s32 $0x400;
	v5 =	vld [tilespmem:s0+$0x830]  }
0x70: {  	s12 =	sand.u32 $0x400, s6;
	s8 =	sand.u32 $0x380, s17;
	v6 =	vld [tilespmem:s0+$0x840]  }
0x71: {  	v7 =	vld [tilespmem:s0+$0x850];
	s1 =	sor.u32 s8, s12  }
0x72: {  	v8 =	vld [tilespmem:s0+$0x860];
	s18 =	sadd.s32 $0x18700, s1  }
0x73: {  	v13 =	vld [tilespmem:s18+$0x870]  }
0x74: {  	v14 =	vld [tilespmem:s18+$0x810]  }
0x75: {  	v1 =	vld.idx.msk [tilespmem:v1+s4+$0x0], $0xffff  }
0x76: {  	v2 =	vld.idx.msk [tilespmem:v2+s4+$0x0], $0xffff  }
0x77: {  	v9 =	vld.idx.msk [tilespmem:v3+s4+$0x0], $0xffff  }
0x78: {  	s7 =	simm.s32 $0x1000;
	v4 =	vld.idx.msk [tilespmem:v4+s4+$0x0], $0xffff  }
0x79: {  	s0 =	sand.u32 $0x1000, s7;
	v10 =	vld.idx.msk [tilespmem:v5+s4+$0x0], $0xffff  }
0x7a: {  	s0 =	sshrl.u32 s0, $0x2;
	v6 =	vld.idx.msk [tilespmem:v6+s4+$0x0], $0xffff  }
0x7b: {  	s0 =	sor.u32 s8, s0;
	v12 =	vld.idx.msk [tilespmem:v8+s4+$0x0], $0xffff  }
0x7c: {  	v8 =	vld [tilespmem:s0+$0x18F00]  }
0x7d: {  	s7 =	simm.s32 $0x1AF70;
	v11 =	vld.idx.msk [tilespmem:v7+s4+$0x0], $0xffff  }
0x7e: {  	v3 =	vld [tilespmem:s18+$0x820];
	[tilespmem:s7+$0xFFFFFF90] =	vst v1  }
0x7f: {  	v5 =	vld [tilespmem:s18+$0x830];
	[tilespmem:s7+$0x0] =	vst v2  }
0x80: {  	v7 =	vld [tilespmem:s18+$0x840];
	[tilespmem:s7+$0xFFFFFFA0] =	vst v9  }
0x81: {  	[tilespmem:s7+$0xFFFFFFB0] =	vst v4;
	v2 =	vld [tilespmem:s18+$0x850]  }
0x82: {  	[tilespmem:s7+$0xFFFFFFC0] =	vst v10;
	v1 =	vld [tilespmem:s18+$0x860]  }
0x83: {  	[tilespmem:s7+$0xFFFFFFD0] =	vst v6;
	v6 =	vld.idx.msk [tilespmem:v13+s4+$0x0], $0xffff  }
0x84: {  	[tilespmem:s7+$0xFFFFFFE0] =	vst v11;
	v8 =	vld.idx.msk [tilespmem:v8+s4+$0x0], $0xffff  }
0x85: {  	s12 =	simm.s32 $0x2000;
	s8 =	simm.s32 $0x80;
	[tilespmem:s7+$0xFFFFFFF0] =	vst v12;
	v4 =	vld.idx.msk [tilespmem:v14+s4+$0x0], $0xffff  }
.LBB2_5:
0x86: {  	s0 =	sand.u32 $0x1000, s12;
	v3 =	vld.idx.msk [tilespmem:v3+s4+$0x0], $0xffff  }
0x87: {  	s0 =	sshrl.u32 s0, $0x2;
	v5 =	vld.idx.msk [tilespmem:v5+s4+$0x0], $0xffff  }
0x88: {  	s17 =	sadd.s32 $0x40, s17;
	s6 =	sadd.s32 $0x400, s6;
	s7 =	sadd.s32 $0x80, s7;
	v7 =	vld.idx.msk [tilespmem:v7+s4+$0x0], $0xffff  }
0x89: {  	s8 =	sadd.s32 $0x80, s8;
	s1 =	sand.u32 $0x380, s17;
	s18 =	sand.u32 $0x400, s6;
	[tilespmem:s7+$0xFFFFFF90] =	vst v8;
	v2 =	vld.idx.msk [tilespmem:v2+s4+$0x0], $0xffff  }
0x8a: {  	p2 =	slt.u32 s8, $0x780;
	s0 =	sor.u32 s1, s0;
	s1 =	sor.u32 s1, s18;
	v1 =	vld.idx.msk [tilespmem:v1+s4+$0x0], $0xffff;
	[tilespmem:s7+$0x0] =	vst v6  }
0x8b: {  	v6 =	vld [tilespmem:s0+$0x18F00];
	s0 =	sadd.s32 $0x18700, s1;
	[tilespmem:s7+$0xFFFFFFA0] =	vst v4  }
0x8c: {  	v4 =	vld [tilespmem:s0+$0x870];
	[tilespmem:s7+$0xFFFFFFB0] =	vst v3  }
0x8d: {  	v9 =	vld [tilespmem:s0+$0x810];
	[tilespmem:s7+$0xFFFFFFC0] =	vst v5  }
0x8e: {  	v3 =	vld [tilespmem:s0+$0x820];
	[tilespmem:s7+$0xFFFFFFD0] =	vst v7  }
0x8f: {  	v5 =	vld [tilespmem:s0+$0x830];
	[tilespmem:s7+$0xFFFFFFE0] =	vst v2  }
0x90: {  	v7 =	vld [tilespmem:s0+$0x840];
	[tilespmem:s7+$0xFFFFFFF0] =	vst v1  }
.Ltmp1:
0x91: {  	v2 =	vld [tilespmem:s0+$0x850];
	(pc) =	sbr.rel @p2 .LBB2_5-.Ltmp1, $4  }
0x92: {  	v1 =	vld [tilespmem:s0+$0x860]  }
0x93: {  	v8 =	vld.idx.msk [tilespmem:v6+s4+$0x0], $0xffff  }
0x94: {  	v6 =	vld.idx.msk [tilespmem:v4+s4+$0x0], $0xffff  }
0x95: {  	s12 =	sadd.s32 $0x1000, s12;
	v4 =	vld.idx.msk [tilespmem:v9+s4+$0x0], $0xffff  }
0x96: {  	_ =	sdelay $0x3  }
0x97: {  	v3 =	vld.idx.msk [tilespmem:v3+s4+$0x0], $0xffff  }
0x98: {  	v5 =	vld.idx.msk [tilespmem:v5+s4+$0x0], $0xffff;
	s0 =	sadd.s32 $0x80, s7  }
0x99: {  	v7 =	vld.idx.msk [tilespmem:v7+s4+$0x0], $0xffff;
	[tilespmem:s0+$0xFFFFFF90] =	vst v8  }
0x9a: {  	v2 =	vld.idx.msk [tilespmem:v2+s4+$0x0], $0xffff;
	[tilespmem:s0+$0x0] =	vst v6  }
0x9b: {  	v1 =	vld.idx.msk [tilespmem:v1+s4+$0x0], $0xffff;
	[tilespmem:s0+$0xFFFFFFA0] =	vst v4  }
0x9c: {  	[tilespmem:s0+$0xFFFFFFB0] =	vst v3  }
0x9d: {  	[tilespmem:s0+$0xFFFFFFC0] =	vst v5  }
0x9e: {  	[tilespmem:s0+$0xFFFFFFD0] =	vst v7  }
0x9f: {  	[tilespmem:s0+$0xFFFFFFE0] =	vst v2  }
0xa0: {  	[tilespmem:s0+$0xFFFFFFF0] =	vst v1  }
0xa1: {  	[hbm4b:s3+s21] =	stream.indirect.scatter [tilespmem:s25], [sflag:$0x3], $0x80, s24, s21, $0xb8;
	[tilespmem:$0x1C900] =	vst v63  }
0xa2: {  	_ =	swait.ge [sflag:s19], $0x800  }
0xa3: {  	s1 =	simm.s32 @!p0 $0x0;
	[sflag:s19] =	ssyncset.done $0x0  }
0xa4: {  	s6 =	simm.s32 @!p0 $0x18F00;
	s0 =	sadd.s32 @!p0 s14, s10;
	[sflag:s19] =	ssyncadd.s32 $0xFFFFF800  }
0xa5: {  	[tilespmem:s6], [sflag:$0x2] =	stream.linear.gather @!p0 [hbm4b:s0+s1], $0x800, $0x38;
	[tilespmem:$0x1C900] =	vst v63  }
0xa6: {  	s12 =	simm.s32 $0x0;
	s17 =	sor.u32 $0x20, s16;
	_ =	swait.ge @p1 [sflag:s31], $0x800  }
0xa7: {  	s18 =	sand.u32 $0x1000, s12;
	s7 =	sand.u32 $0x380, s12;
	[sflag:s31] =	ssyncset.done @p1 $0x0  }
0xa8: {  	v1 =	vor.u32 s17, v0;
	s6 =	sshrl.u32 s18, $0x2;
	s0 =	sand.u32 $0x400, s12;
	[sflag:s31] =	ssyncadd.s32 @p1 $0xFFFFF800  }
0xa9: {  	s1 =	sor.u32 s7, s6;
	s0 =	sor.u32 s7, s0;
	[tilespmem:$0x1C800] =	vst v1  }
0xaa: {  	s0 =	sadd.s32 $0x18700, s0;
	v1 =	vld [tilespmem:s1+$0x19700]  }
0xab: {  	v2 =	vld [tilespmem:s0+$0x1070]  }
0xac: {  	v3 =	vld [tilespmem:s0+$0x1010]  }
0xad: {  	v4 =	vld [tilespmem:s0+$0x1020]  }
0xae: {  	s16 =	simm.s32 $0x40;
	s6 =	simm.s32 $0x400;
	v5 =	vld [tilespmem:s0+$0x1030]  }
0xaf: {  	s12 =	sand.u32 $0x380, s16;
	s17 =	sand.u32 $0x400, s6;
	v6 =	vld [tilespmem:s0+$0x1040]  }
0xb0: {  	v7 =	vld [tilespmem:s0+$0x1050];
	s1 =	sor.u32 s12, s17  }
0xb1: {  	v8 =	vld [tilespmem:s0+$0x1060];
	s18 =	sadd.s32 $0x18700, s1  }
0xb2: {  	v13 =	vld [tilespmem:s18+$0x1070]  }
0xb3: {  	v14 =	vld [tilespmem:s18+$0x1010]  }
0xb4: {  	v1 =	vld.idx.msk [tilespmem:v1+s4+$0x0], $0xffff  }
0xb5: {  	v2 =	vld.idx.msk [tilespmem:v2+s4+$0x0], $0xffff  }
0xb6: {  	v9 =	vld.idx.msk [tilespmem:v3+s4+$0x0], $0xffff  }
0xb7: {  	s8 =	simm.s32 $0x1000;
	v4 =	vld.idx.msk [tilespmem:v4+s4+$0x0], $0xffff  }
0xb8: {  	s0 =	sand.u32 $0x1000, s8;
	v10 =	vld.idx.msk [tilespmem:v5+s4+$0x0], $0xffff  }
0xb9: {  	s0 =	sshrl.u32 s0, $0x2;
	v6 =	vld.idx.msk [tilespmem:v6+s4+$0x0], $0xffff  }
0xba: {  	s0 =	sor.u32 s12, s0;
	v12 =	vld.idx.msk [tilespmem:v8+s4+$0x0], $0xffff  }
0xbb: {  	v8 =	vld [tilespmem:s0+$0x19700]  }
0xbc: {  	s7 =	simm.s32 $0x1B770;
	v11 =	vld.idx.msk [tilespmem:v7+s4+$0x0], $0xffff  }
0xbd: {  	v3 =	vld [tilespmem:s18+$0x1020];
	[tilespmem:s7+$0xFFFFFF90] =	vst v1  }
0xbe: {  	v5 =	vld [tilespmem:s18+$0x1030];
	[tilespmem:s7+$0x0] =	vst v2  }
0xbf: {  	v7 =	vld [tilespmem:s18+$0x1040];
	[tilespmem:s7+$0xFFFFFFA0] =	vst v9  }
0xc0: {  	[tilespmem:s7+$0xFFFFFFB0] =	vst v4;
	v2 =	vld [tilespmem:s18+$0x1050]  }
0xc1: {  	[tilespmem:s7+$0xFFFFFFC0] =	vst v10;
	v1 =	vld [tilespmem:s18+$0x1060]  }
0xc2: {  	[tilespmem:s7+$0xFFFFFFD0] =	vst v6;
	v6 =	vld.idx.msk [tilespmem:v13+s4+$0x0], $0xffff  }
0xc3: {  	[tilespmem:s7+$0xFFFFFFE0] =	vst v11;
	v8 =	vld.idx.msk [tilespmem:v8+s4+$0x0], $0xffff  }
0xc4: {  	s8 =	simm.s32 $0x80;
	s12 =	simm.s32 $0x2000;
	[tilespmem:s7+$0xFFFFFFF0] =	vst v12;
	v4 =	vld.idx.msk [tilespmem:v14+s4+$0x0], $0xffff  }
.LBB2_7:
0xc5: {  	s0 =	sand.u32 $0x1000, s12;
	v3 =	vld.idx.msk [tilespmem:v3+s4+$0x0], $0xffff  }
0xc6: {  	s0 =	sshrl.u32 s0, $0x2;
	v5 =	vld.idx.msk [tilespmem:v5+s4+$0x0], $0xffff  }
0xc7: {  	s16 =	sadd.s32 $0x40, s16;
	s6 =	sadd.s32 $0x400, s6;
	s7 =	sadd.s32 $0x80, s7;
	v7 =	vld.idx.msk [tilespmem:v7+s4+$0x0], $0xffff  }
0xc8: {  	s8 =	sadd.s32 $0x80, s8;
	s1 =	sand.u32 $0x380, s16;
	s17 =	sand.u32 $0x400, s6;
	[tilespmem:s7+$0xFFFFFF90] =	vst v8;
	v2 =	vld.idx.msk [tilespmem:v2+s4+$0x0], $0xffff  }
0xc9: {  	p2 =	slt.u32 s8, $0x780;
	s0 =	sor.u32 s1, s0;
	s1 =	sor.u32 s1, s17;
	v1 =	vld.idx.msk [tilespmem:v1+s4+$0x0], $0xffff;
	[tilespmem:s7+$0x0] =	vst v6  }
0xca: {  	v6 =	vld [tilespmem:s0+$0x19700];
	s0 =	sadd.s32 $0x18700, s1;
	[tilespmem:s7+$0xFFFFFFA0] =	vst v4  }
0xcb: {  	v4 =	vld [tilespmem:s0+$0x1070];
	[tilespmem:s7+$0xFFFFFFB0] =	vst v3  }
0xcc: {  	v9 =	vld [tilespmem:s0+$0x1010];
	[tilespmem:s7+$0xFFFFFFC0] =	vst v5  }
0xcd: {  	v3 =	vld [tilespmem:s0+$0x1020];
	[tilespmem:s7+$0xFFFFFFD0] =	vst v7  }
0xce: {  	v5 =	vld [tilespmem:s0+$0x1030];
	[tilespmem:s7+$0xFFFFFFE0] =	vst v2  }
0xcf: {  	v7 =	vld [tilespmem:s0+$0x1040];
	[tilespmem:s7+$0xFFFFFFF0] =	vst v1  }
.Ltmp2:
0xd0: {  	v2 =	vld [tilespmem:s0+$0x1050];
	(pc) =	sbr.rel @p2 .LBB2_7-.Ltmp2, $4  }
0xd1: {  	v1 =	vld [tilespmem:s0+$0x1060]  }
0xd2: {  	v8 =	vld.idx.msk [tilespmem:v6+s4+$0x0], $0xffff  }
0xd3: {  	v6 =	vld.idx.msk [tilespmem:v4+s4+$0x0], $0xffff  }
0xd4: {  	s12 =	sadd.s32 $0x1000, s12;
	v4 =	vld.idx.msk [tilespmem:v9+s4+$0x0], $0xffff  }
0xd5: {  	_ =	sdelay $0x3  }
0xd6: {  	v3 =	vld.idx.msk [tilespmem:v3+s4+$0x0], $0xffff  }
0xd7: {  	v5 =	vld.idx.msk [tilespmem:v5+s4+$0x0], $0xffff;
	s0 =	sadd.s32 $0x80, s7  }
0xd8: {  	v7 =	vld.idx.msk [tilespmem:v7+s4+$0x0], $0xffff;
	[tilespmem:s0+$0xFFFFFF90] =	vst v8  }
0xd9: {  	v2 =	vld.idx.msk [tilespmem:v2+s4+$0x0], $0xffff;
	[tilespmem:s0+$0x0] =	vst v6  }
0xda: {  	v1 =	vld.idx.msk [tilespmem:v1+s4+$0x0], $0xffff;
	[tilespmem:s0+$0xFFFFFFA0] =	vst v4  }
0xdb: {  	[tilespmem:s0+$0xFFFFFFB0] =	vst v3  }
0xdc: {  	[tilespmem:s0+$0xFFFFFFC0] =	vst v5  }
0xdd: {  	[tilespmem:s0+$0xFFFFFFD0] =	vst v7  }
0xde: {  	[tilespmem:s0+$0xFFFFFFE0] =	vst v2  }
0xdf: {  	[tilespmem:s0+$0xFFFFFFF0] =	vst v1  }
0xe0: {  	[hbm4b:s3+s21] =	stream.indirect.scatter [tilespmem:s28], [sflag:$0x3], $0x80, s26, s21, $0xb8;
	[tilespmem:$0x1C900] =	vst v63  }
0xe1: {  	_ =	swait.ge [sflag:s19], $0x800  }
0xe2: {  	s1 =	simm.s32 @!p0 $0x0;
	[sflag:s19] =	ssyncset.done $0x0  }
0xe3: {  	s6 =	simm.s32 @!p0 $0x19700;
	s0 =	sadd.s32 @!p0 s14, s11;
	[sflag:s19] =	ssyncadd.s32 $0xFFFFF800  }
0xe4: {  	[tilespmem:s6], [sflag:$0x2] =	stream.linear.gather @!p0 [hbm4b:s0+s1], $0x800, $0x38;
	[tilespmem:$0x1C900] =	vst v63  }
0xe5: {  	s6 =	sshll.u32 s13, $0x4  }
0xe6: {  	s7 =	simm.s32 $0x0;
	s0 =	sand.u32 $0x3F0, s6  }
0xe7: {  	s8 =	sand.u32 $0x1000, s7;
	_ =	swait.ge @p1 [sflag:s31], $0x800;
	s0 =	sor.u32 s0, s5  }
0xe8: {  	s12 =	sshrl.u32 s8, $0x2;
	[sflag:s31] =	ssyncset.done @p1 $0x0;
	s0 =	sor.u32 s15, s0  }
0xe9: {  	s13 =	sand.u32 $0x380, s7;
	s1 =	sand.u32 $0x400, s7;
	[sflag:s31] =	ssyncadd.s32 @p1 $0xFFFFF800;
	v1 =	vor.u32 s0, v0  }
0xea: {  	s1 =	sor.u32 s13, s1;
	s0 =	sor.u32 s13, s12;
	[tilespmem:$0x1C880] =	vst v1  }
0xeb: {  	s14 =	sadd.s32 $0x18700, s1;
	v1 =	vld [tilespmem:s0+$0x19F00]  }
0xec: {  	v2 =	vld [tilespmem:s14+$0x1870]  }
0xed: {  	v3 =	vld [tilespmem:s14+$0x1810]  }
0xee: {  	v4 =	vld [tilespmem:s14+$0x1820]  }
0xef: {  	s6 =	simm.s32 $0x400;
	s13 =	simm.s32 $0x40;
	v5 =	vld [tilespmem:s14+$0x1830]  }
0xf0: {  	s17 =	sand.u32 $0x400, s6;
	s16 =	sand.u32 $0x380, s13;
	v6 =	vld [tilespmem:s14+$0x1840]  }
0xf1: {  	v7 =	vld [tilespmem:s14+$0x1850];
	s1 =	sor.u32 s16, s17  }
0xf2: {  	v8 =	vld [tilespmem:s14+$0x1860];
	s18 =	sadd.s32 $0x18700, s1  }
0xf3: {  	v13 =	vld [tilespmem:s18+$0x1870]  }
0xf4: {  	v14 =	vld [tilespmem:s18+$0x1810]  }
0xf5: {  	v1 =	vld.idx.msk [tilespmem:v1+s4+$0x0], $0xffff  }
0xf6: {  	v2 =	vld.idx.msk [tilespmem:v2+s4+$0x0], $0xffff  }
0xf7: {  	v9 =	vld.idx.msk [tilespmem:v3+s4+$0x0], $0xffff  }
0xf8: {  	s15 =	simm.s32 $0x1000;
	v4 =	vld.idx.msk [tilespmem:v4+s4+$0x0], $0xffff  }
0xf9: {  	s0 =	sand.u32 $0x1000, s15;
	v10 =	vld.idx.msk [tilespmem:v5+s4+$0x0], $0xffff  }
0xfa: {  	s0 =	sshrl.u32 s0, $0x2;
	v6 =	vld.idx.msk [tilespmem:v6+s4+$0x0], $0xffff  }
0xfb: {  	s0 =	sor.u32 s16, s0;
	v12 =	vld.idx.msk [tilespmem:v8+s4+$0x0], $0xffff  }
0xfc: {  	v8 =	vld [tilespmem:s0+$0x19F00]  }
0xfd: {  	s7 =	simm.s32 $0x1BF70;
	v11 =	vld.idx.msk [tilespmem:v7+s4+$0x0], $0xffff  }
0xfe: {  	v3 =	vld [tilespmem:s18+$0x1820];
	[tilespmem:s7+$0xFFFFFF90] =	vst v1  }
0xff: {  	v5 =	vld [tilespmem:s18+$0x1830];
	[tilespmem:s7+$0x0] =	vst v2  }
0x100: {  	v7 =	vld [tilespmem:s18+$0x1840];
	[tilespmem:s7+$0xFFFFFFA0] =	vst v9  }
0x101: {  	[tilespmem:s7+$0xFFFFFFB0] =	vst v4;
	v2 =	vld [tilespmem:s18+$0x1850]  }
0x102: {  	[tilespmem:s7+$0xFFFFFFC0] =	vst v10;
	v1 =	vld [tilespmem:s18+$0x1860]  }
0x103: {  	[tilespmem:s7+$0xFFFFFFD0] =	vst v6;
	v6 =	vld.idx.msk [tilespmem:v13+s4+$0x0], $0xffff  }
0x104: {  	[tilespmem:s7+$0xFFFFFFE0] =	vst v11;
	v8 =	vld.idx.msk [tilespmem:v8+s4+$0x0], $0xffff  }
0x105: {  	s8 =	simm.s32 $0x80;
	s12 =	simm.s32 $0x2000;
	[tilespmem:s7+$0xFFFFFFF0] =	vst v12;
	v4 =	vld.idx.msk [tilespmem:v14+s4+$0x0], $0xffff  }
.LBB2_9:
0x106: {  	s0 =	sand.u32 $0x1000, s12;
	v3 =	vld.idx.msk [tilespmem:v3+s4+$0x0], $0xffff  }
0x107: {  	s0 =	sshrl.u32 s0, $0x2;
	v5 =	vld.idx.msk [tilespmem:v5+s4+$0x0], $0xffff  }
0x108: {  	s13 =	sadd.s32 $0x40, s13;
	s6 =	sadd.s32 $0x400, s6;
	s7 =	sadd.s32 $0x80, s7;
	v7 =	vld.idx.msk [tilespmem:v7+s4+$0x0], $0xffff  }
0x109: {  	s8 =	sadd.s32 $0x80, s8;
	s1 =	sand.u32 $0x380, s13;
	s14 =	sand.u32 $0x400, s6;
	[tilespmem:s7+$0xFFFFFF90] =	vst v8;
	v2 =	vld.idx.msk [tilespmem:v2+s4+$0x0], $0xffff  }
0x10a: {  	p0 =	slt.u32 s8, $0x780;
	s0 =	sor.u32 s1, s0;
	s1 =	sor.u32 s1, s14;
	v1 =	vld.idx.msk [tilespmem:v1+s4+$0x0], $0xffff;
	[tilespmem:s7+$0x0] =	vst v6  }
0x10b: {  	v6 =	vld [tilespmem:s0+$0x19F00];
	s0 =	sadd.s32 $0x18700, s1;
	[tilespmem:s7+$0xFFFFFFA0] =	vst v4  }
0x10c: {  	v4 =	vld [tilespmem:s0+$0x1870];
	[tilespmem:s7+$0xFFFFFFB0] =	vst v3  }
0x10d: {  	v9 =	vld [tilespmem:s0+$0x1810];
	[tilespmem:s7+$0xFFFFFFC0] =	vst v5  }
0x10e: {  	v3 =	vld [tilespmem:s0+$0x1820];
	[tilespmem:s7+$0xFFFFFFD0] =	vst v7  }
0x10f: {  	v5 =	vld [tilespmem:s0+$0x1830];
	[tilespmem:s7+$0xFFFFFFE0] =	vst v2  }
0x110: {  	v7 =	vld [tilespmem:s0+$0x1840];
	[tilespmem:s7+$0xFFFFFFF0] =	vst v1  }
.Ltmp3:
0x111: {  	v2 =	vld [tilespmem:s0+$0x1850];
	(pc) =	sbr.rel @p0 .LBB2_9-.Ltmp3, $4  }
0x112: {  	v1 =	vld [tilespmem:s0+$0x1860]  }
0x113: {  	v8 =	vld.idx.msk [tilespmem:v6+s4+$0x0], $0xffff  }
0x114: {  	v6 =	vld.idx.msk [tilespmem:v4+s4+$0x0], $0xffff  }
0x115: {  	s12 =	sadd.s32 $0x1000, s12;
	v4 =	vld.idx.msk [tilespmem:v9+s4+$0x0], $0xffff  }
0x116: {  	_ =	sdelay $0x3  }
0x117: {  	v3 =	vld.idx.msk [tilespmem:v3+s4+$0x0], $0xffff  }
0x118: {  	v5 =	vld.idx.msk [tilespmem:v5+s4+$0x0], $0xffff;
	s0 =	sadd.s32 $0x80, s7  }
0x119: {  	v7 =	vld.idx.msk [tilespmem:v7+s4+$0x0], $0xffff;
	[tilespmem:s0+$0xFFFFFF90] =	vst v8  }
0x11a: {  	v2 =	vld.idx.msk [tilespmem:v2+s4+$0x0], $0xffff;
	[tilespmem:s0+$0x0] =	vst v6  }
0x11b: {  	s2 =	sadd.s32 $0x1, s2;
	v1 =	vld.idx.msk [tilespmem:v1+s4+$0x0], $0xffff;
	[tilespmem:s0+$0xFFFFFFA0] =	vst v4  }
0x11c: {  	p0 =	sne.s32 s2, $0x190;
	[tilespmem:s0+$0xFFFFFFB0] =	vst v3  }
.Ltmp4:
0x11d: {  	[tilespmem:s0+$0xFFFFFFC0] =	vst v5;
	(pc) =	sbr.rel @p0 .LBB2_2-.Ltmp4, $4  }
0x11e: {  	[tilespmem:s0+$0xFFFFFFD0] =	vst v7  }
0x11f: {  	[tilespmem:s0+$0xFFFFFFE0] =	vst v2  }
0x120: {  	[tilespmem:s0+$0xFFFFFFF0] =	vst v1  }
0x121: {  	[hbm4b:s3+s21] =	stream.indirect.scatter [tilespmem:s30], [sflag:$0x3], $0x80, s29, s21, $0xb8;
	[tilespmem:$0x1C900] =	vst v63  }
0x122: {  	_ =	swait.ge [sflag:s31], $0x800  }
0x123: {  	[sflag:s31] =	ssyncset.done $0x0  }
0x124: {  	[sflag:s31] =	ssyncadd.s32 $0xFFFFF800  }
0x125: {  	_ =	swait.ge [sflag:s31], $0x800  }
0x126: {  	[sflag:s31] =	ssyncset.done $0x0  }
0x127: {  	[sflag:s31] =	ssyncadd.s32 $0xFFFFF800  }
0x128: {  	_ =	swait.ge [sflag:s31], $0x800  }
0x129: {  	[sflag:s31] =	ssyncset.done $0x0  }
0x12a: {  	[sflag:s31] =	ssyncadd.s32 $0xFFFFF800  }
0x12b: {  	_ =	swait.ge [sflag:s31], $0x800  }
0x12c: {  	s1 =	rddreg [dreg:$0x8]  }
0x12d: {  	s0 =	rddreg [dreg:$0x7];
	s1 =	sadd.s32 $0x1, s1  }
0x12e: {  	p0 =	sne.s32 s1, s0  }
.Ltmp5:
0x12f: {  	_ = 	snop;
	(pc) =	sbr.rel @p0 .LBB2_1-.Ltmp5, $3  }
0x130: {  	_ =	sdelay $0x1  }
0x131: {  	[sflag:s31] =	ssyncset.done $0x0  }
0x132: {  	[sflag:s31] =	ssyncadd.s32 $0xFFFFF800  }
0x133: {  	_ =	sfence.sel $0x180000  }
0x134: {  	[bflag:$0x0] =	sbarrier.arrive $0xFFFF  }
0x135: {  	_ =	strace $0x90000047  }
0x136: {  	s0 =	stileid.u32;
	[bflag:$0x2] =	sbarrier.arrive $0xFFFF  }
0x137: {  	p0 =	sne.s32 s0, $0x0;
	s0 =	rddreg [dreg:$0x3]  }
0x138: {  	s0 =	sadd.s32 @!p0 $0x100000, s0  }
0x139: {  	[sflag:s0] =	ssyncadd.tile.s32 @!p0 $0x1;
	_ =	shalt  }
.Lfunc_end2:
_tile_overlayer_lowered:
.L_overlay_start_2:
0x13a: {  	(tag) =	ssettag $0x2  }
0x13b: {  	s0 =	rddreg [dreg:$0x0];
	s2 =	stileid.u32  }
0x13c: {  	s1 =	rddreg [dreg:$0x1];
	p0 =	sne.s32 s2, $0x0  }
0x13d: {  	s3 =	rddreg [dreg:$0x2];
	[bflag:$0x3] =	sbarrier.arrive $0xFFFF;
	s2 =	simm.s32 @!p0 $0x1C04  }
0x13e: {  	[timem:s3], [sflag:s2] =	dma.local @!p0 [hbm:s0], s1  }
0x13f: {  	s0 =	simm.s32 @!p0 $0x4  }
0x140: {  	_ =	swait.ge @!p0 [sflag:s0], s1  }
0x141: {  	s1 =	ssub.s32 @!p0 $0x0, s1;
	[sflag:s0] =	ssyncset.done @!p0 $0x0  }
0x142: {  	[sflag:s0] =	ssyncadd.s32 @!p0 s1  }
0x143: {  	[bflag:$0x3] =	sbarrier.arrive $0xFFFF  }
0x144: {  	_ =	shalt  }

</sc_bundles>
